<compile_context>
chip_gen: v7x
topology: tpu7x:2x2x1
jax: 0.10.2.dev20260603
libtpu: 0.0.44.dev20260713+nightly
codegen_flags: <defaults>
</compile_context>

<pallas_src>
import functools
import jax
import jax.numpy as jnp
from jax import lax
from jax.experimental import pallas as pl
from jax.experimental.pallas import tpu as pltpu
from jax.experimental.pallas import tpu_sc as plsc

D_MODEL = 64
SCALE = 8.0

NC, NS = 2, 16
NW = NC * NS
RG = 128
G = 5
CH = G * RG

B = 4096 * 200
B_PER_W = B // NW
GROUPS_PER_W = B_PER_W // RG
CHUNKS_PER_W = B_PER_W // CH


def _emb_body(x_hbm, lut_hbm, out_hbm, idx_v, buf0, buf1, gsem0, gsem1):
    wid = lax.axis_index("s") * NC + lax.axis_index("c")
    gbase = wid * GROUPS_PER_W
    pltpu.sync_copy(x_hbm.at[pl.ds(gbase, GROUPS_PER_W)], idx_v)

    bufs = (buf0, buf1)
    sems = (gsem0, gsem1)

    def fire(chunk, buf, sem):
        for j in range(G):
            pltpu.async_copy(
                lut_hbm.at[idx_v.at[chunk * G + j]],
                buf.at[pl.ds(j * RG, RG)],
                sem,
            )

    def drain(buf, sem):
        pltpu.make_async_copy(lut_hbm.at[pl.ds(0, CH)], buf, sem).wait()

    fire(0, buf0, gsem0)

    @pl.loop(0, CHUNKS_PER_W, step=2)
    def _chunk(g):
        for b in range(2):
            chunk = g + b
            buf, sem = bufs[b], sems[b]

            @pl.when(chunk + 1 < CHUNKS_PER_W)
            def _():
                fire(chunk + 1, bufs[1 - b], sems[1 - b])

            drain(buf, sem)

            @pl.loop(0, CH, unroll=8)
            def _row(i):
                for j in range(D_MODEL // 16):
                    sl = pl.ds(j * 16, 16)
                    buf[i, sl] = buf[i, sl] * SCALE

            crow = (gbase + chunk * G) * RG
            pltpu.sync_copy(buf, out_hbm.at[pl.ds(crow, CH), pl.ds(0, D_MODEL)])


@jax.jit
def _emb(x2, lut):
    mesh = plsc.VectorSubcoreMesh(
        core_axis_name="c", subcore_axis_name="s", num_cores=NC, num_subcores=NS
    )
    run = pl.kernel(
        _emb_body,
        out_type=jax.ShapeDtypeStruct((B, 128), jnp.float32),
        mesh=mesh,
        scratch_types=[
            pltpu.VMEM((GROUPS_PER_W, RG), jnp.int32),
            pltpu.VMEM((CH, D_MODEL), jnp.float32),
            pltpu.VMEM((CH, D_MODEL), jnp.float32),
            pltpu.SemaphoreType.DMA,
            pltpu.SemaphoreType.DMA,
        ],
        compiler_params=pltpu.CompilerParams(
            use_tc_tiling_on_sc=False, needs_layout_passes=False
        ),
    )
    return run(x2, lut)


def kernel(x, lut):
    x2 = x.reshape(B // RG, RG).astype(jnp.int32)
    out = _emb(x2, lut)
    return out[:, :D_MODEL].reshape(x.shape[0], x.shape[1], D_MODEL)

# --- scband reference (transcript-rebuilt; emitter-appended) ---
"""Pipeline reference for scband-embeddings-13451837571418 (READ-ONLY COPY).

The authoritative reference and input builder live on the scoring server;
editing this copy changes nothing except your own understanding.
"""

import jax, jax.numpy as jnp
import numpy as np
import math

VOCAB = 1000000
D_MODEL = 64

def setup_inputs(seed: int = 0) -> dict:
    key = jax.random.key(seed)
    k1, k2 = jax.random.split(key)
    x = jax.random.randint(k1, (4096, 200), 0, VOCAB, dtype=jnp.int64 if jax.config.jax_enable_x64 else jnp.int32)
    lut = jax.random.normal(k2, (VOCAB, D_MODEL), dtype=jnp.float32)
    return {"x": x, "lut": lut}

def reference(x, lut):
    # Embeddings.forward: self.lut(x) * math.sqrt(self.d_model)
    emb = jnp.take(lut, x, axis=0)
    return emb * math.sqrt(D_MODEL)

if __name__ == "__main__":
    import jax
    _d = setup_inputs()
    print(jax.jit(kernel)(*tuple(_d.values())))

</pallas_src>

<mosaic_0001>
#map = affine_map<(d0, d1) -> (0, 0)>
module attributes {stable_mosaic.version = 14 : i64} {
  func.func @_emb_body(%arg0: i32, %arg1: i32, %arg2: memref<6400x128xi32, #tpu.memory_space<hbm>>, %arg3: memref<1000000x64xf32, #tpu.memory_space<hbm>>, %arg4: memref<819200x128xf32, #tpu.memory_space<hbm>>, %arg5: memref<200x128xi32, #tpu.memory_space<vmem>>, %arg6: memref<640x64xf32, #tpu.memory_space<vmem>>, %arg7: memref<640x64xf32, #tpu.memory_space<vmem>>, %arg8: memref<!tpu.dma_semaphore, #tpu.memory_space<semaphore_mem>>, %arg9: memref<!tpu.dma_semaphore, #tpu.memory_space<semaphore_mem>>) attributes {dimension_semantics = [#tpu.dimension_semantics<core_parallel>, #tpu.dimension_semantics<subcore_parallel>], iteration_bounds = array<i64: 2, 16>, scalar_prefetch = 0 : i64, scratch_operands = 5 : i64, tpu.core_type = #tpu.core_type<sc_vector_subcore>, window_params = [{transform_indices = #map}, {transform_indices = #map}, {transform_indices = #map}]} {
    %mul3A = arith.constant 2 : i32
    %mul3A_0 = arith.muli %arg1, %mul3A : i32
    %add3A = arith.addi %mul3A_0, %arg0 : i32
    %mul3A_1 = arith.constant 200 : i32
    %mul3A_2 = arith.muli %add3A, %mul3A_1 : i32
    "tpu.region"() ({
      %run_scoped3A = tpu.sem_alloc : memref<!tpu.dma_semaphore, #tpu.memory_space<semaphore_mem>>
      %dma_start3A_56 = arith.constant 0 : i32
      %dma_start3A_57 = tpu.memref_slice %arg2[%mul3A_2, %dma_start3A_56] : memref<6400x128xi32, #tpu.memory_space<hbm>> -> memref<200x128xi32, #tpu.memory_space<hbm>>
      %dma_start3A_58 = arith.constant 0 : i32
      %dma_start3A_59 = tpu.memref_slice %arg2[%mul3A_2, %dma_start3A_58] : memref<6400x128xi32, #tpu.memory_space<hbm>> -> memref<200x128xi32, #tpu.memory_space<hbm>>
      tpu.enqueue_dma source(%dma_start3A_59 : memref<200x128xi32, #tpu.memory_space<hbm>>) target(%arg5 : memref<200x128xi32, #tpu.memory_space<vmem>>) target_semaphore(%run_scoped3A : memref<!tpu.dma_semaphore, #tpu.memory_space<semaphore_mem>>)
      %dma_wait3A = arith.constant 0 : i32
      %dma_wait3A_60 = tpu.memref_slice %arg2[%mul3A_2, %dma_wait3A] : memref<6400x128xi32, #tpu.memory_space<hbm>> -> memref<200x128xi32, #tpu.memory_space<hbm>>
      %dma_wait3A_61 = arith.constant 0 : i32
      %dma_wait3A_62 = tpu.memref_slice %arg2[%mul3A_2, %dma_wait3A_61] : memref<6400x128xi32, #tpu.memory_space<hbm>> -> memref<200x128xi32, #tpu.memory_space<hbm>>
      tpu.wait_dma2 semaphore(%run_scoped3A : memref<!tpu.dma_semaphore, #tpu.memory_space<semaphore_mem>>) src(%dma_wait3A_62 : memref<200x128xi32, #tpu.memory_space<hbm>>) dst(%arg5 : memref<200x128xi32, #tpu.memory_space<vmem>>)
      tpu.yield
    }) : () -> ()
    %dma_start3A = arith.constant 0 : i32
    %dma_start3A_3 = arith.constant 0 : i32
    %dma_start3A_4 = arith.constant 0 : i32
    %dma_start3A_5 = tpu.memref_slice %arg6[%dma_start3A_3, %dma_start3A_4] : memref<640x64xf32, #tpu.memory_space<vmem>> -> memref<128x64xf32, #tpu.memory_space<vmem>>
    %dma_start3A_6 = arith.constant 0 : i32
    %dma_start3A_7 = tpu.memref_slice %arg5[%dma_start3A, %dma_start3A_6] : memref<200x128xi32, #tpu.memory_space<vmem>> -> memref<1x128xi32, #tpu.memory_space<vmem>>
    %dma_start3A_8 = tpu.memref_squeeze %dma_start3A_7 : memref<1x128xi32, #tpu.memory_space<vmem>> -> memref<128xi32, #tpu.memory_space<vmem>>
    %dma_start3A_9 = arith.constant 0 : i32
    %dma_start3A_10 = arith.constant 0 : i32
    %dma_start3A_11 = tpu.memref_slice %arg3[%dma_start3A_9, %dma_start3A_10] : memref<1000000x64xf32, #tpu.memory_space<hbm>> -> memref<1000000x64xf32, #tpu.memory_space<hbm>>
    tpu.enqueue_indirect_dma source(%dma_start3A_11 : memref<1000000x64xf32, #tpu.memory_space<hbm>>) target(%dma_start3A_5 : memref<128x64xf32, #tpu.memory_space<vmem>>) offsets(%dma_start3A_8 : memref<128xi32, #tpu.memory_space<vmem>>) semaphore(%arg8 : memref<!tpu.dma_semaphore, #tpu.memory_space<semaphore_mem>>)
    %dma_start3A_12 = arith.constant 1 : i32
    %dma_start3A_13 = arith.constant 128 : i32
    %dma_start3A_14 = arith.constant 0 : i32
    %dma_start3A_15 = tpu.memref_slice %arg6[%dma_start3A_13, %dma_start3A_14] : memref<640x64xf32, #tpu.memory_space<vmem>> -> memref<128x64xf32, #tpu.memory_space<vmem>>
    %dma_start3A_16 = arith.constant 0 : i32
    %dma_start3A_17 = tpu.memref_slice %arg5[%dma_start3A_12, %dma_start3A_16] : memref<200x128xi32, #tpu.memory_space<vmem>> -> memref<1x128xi32, #tpu.memory_space<vmem>>
    %dma_start3A_18 = tpu.memref_squeeze %dma_start3A_17 : memref<1x128xi32, #tpu.memory_space<vmem>> -> memref<128xi32, #tpu.memory_space<vmem>>
    %dma_start3A_19 = arith.constant 0 : i32
    %dma_start3A_20 = arith.constant 0 : i32
    %dma_start3A_21 = tpu.memref_slice %arg3[%dma_start3A_19, %dma_start3A_20] : memref<1000000x64xf32, #tpu.memory_space<hbm>> -> memref<1000000x64xf32, #tpu.memory_space<hbm>>
    tpu.enqueue_indirect_dma source(%dma_start3A_21 : memref<1000000x64xf32, #tpu.memory_space<hbm>>) target(%dma_start3A_15 : memref<128x64xf32, #tpu.memory_space<vmem>>) offsets(%dma_start3A_18 : memref<128xi32, #tpu.memory_space<vmem>>) semaphore(%arg8 : memref<!tpu.dma_semaphore, #tpu.memory_space<semaphore_mem>>)
    %dma_start3A_22 = arith.constant 2 : i32
    %dma_start3A_23 = arith.constant 256 : i32
    %dma_start3A_24 = arith.constant 0 : i32
    %dma_start3A_25 = tpu.memref_slice %arg6[%dma_start3A_23, %dma_start3A_24] : memref<640x64xf32, #tpu.memory_space<vmem>> -> memref<128x64xf32, #tpu.memory_space<vmem>>
    %dma_start3A_26 = arith.constant 0 : i32
    %dma_start3A_27 = tpu.memref_slice %arg5[%dma_start3A_22, %dma_start3A_26] : memref<200x128xi32, #tpu.memory_space<vmem>> -> memref<1x128xi32, #tpu.memory_space<vmem>>
    %dma_start3A_28 = tpu.memref_squeeze %dma_start3A_27 : memref<1x128xi32, #tpu.memory_space<vmem>> -> memref<128xi32, #tpu.memory_space<vmem>>
    %dma_start3A_29 = arith.constant 0 : i32
    %dma_start3A_30 = arith.constant 0 : i32
    %dma_start3A_31 = tpu.memref_slice %arg3[%dma_start3A_29, %dma_start3A_30] : memref<1000000x64xf32, #tpu.memory_space<hbm>> -> memref<1000000x64xf32, #tpu.memory_space<hbm>>
    tpu.enqueue_indirect_dma source(%dma_start3A_31 : memref<1000000x64xf32, #tpu.memory_space<hbm>>) target(%dma_start3A_25 : memref<128x64xf32, #tpu.memory_space<vmem>>) offsets(%dma_start3A_28 : memref<128xi32, #tpu.memory_space<vmem>>) semaphore(%arg8 : memref<!tpu.dma_semaphore, #tpu.memory_space<semaphore_mem>>)
    %dma_start3A_32 = arith.constant 3 : i32
    %dma_start3A_33 = arith.constant 384 : i32
    %dma_start3A_34 = arith.constant 0 : i32
    %dma_start3A_35 = tpu.memref_slice %arg6[%dma_start3A_33, %dma_start3A_34] : memref<640x64xf32, #tpu.memory_space<vmem>> -> memref<128x64xf32, #tpu.memory_space<vmem>>
    %dma_start3A_36 = arith.constant 0 : i32
    %dma_start3A_37 = tpu.memref_slice %arg5[%dma_start3A_32, %dma_start3A_36] : memref<200x128xi32, #tpu.memory_space<vmem>> -> memref<1x128xi32, #tpu.memory_space<vmem>>
    %dma_start3A_38 = tpu.memref_squeeze %dma_start3A_37 : memref<1x128xi32, #tpu.memory_space<vmem>> -> memref<128xi32, #tpu.memory_space<vmem>>
    %dma_start3A_39 = arith.constant 0 : i32
    %dma_start3A_40 = arith.constant 0 : i32
    %dma_start3A_41 = tpu.memref_slice %arg3[%dma_start3A_39, %dma_start3A_40] : memref<1000000x64xf32, #tpu.memory_space<hbm>> -> memref<1000000x64xf32, #tpu.memory_space<hbm>>
    tpu.enqueue_indirect_dma source(%dma_start3A_41 : memref<1000000x64xf32, #tpu.memory_space<hbm>>) target(%dma_start3A_35 : memref<128x64xf32, #tpu.memory_space<vmem>>) offsets(%dma_start3A_38 : memref<128xi32, #tpu.memory_space<vmem>>) semaphore(%arg8 : memref<!tpu.dma_semaphore, #tpu.memory_space<semaphore_mem>>)
    %dma_start3A_42 = arith.constant 4 : i32
    %dma_start3A_43 = arith.constant 512 : i32
    %dma_start3A_44 = arith.constant 0 : i32
    %dma_start3A_45 = tpu.memref_slice %arg6[%dma_start3A_43, %dma_start3A_44] : memref<640x64xf32, #tpu.memory_space<vmem>> -> memref<128x64xf32, #tpu.memory_space<vmem>>
    %dma_start3A_46 = arith.constant 0 : i32
    %dma_start3A_47 = tpu.memref_slice %arg5[%dma_start3A_42, %dma_start3A_46] : memref<200x128xi32, #tpu.memory_space<vmem>> -> memref<1x128xi32, #tpu.memory_space<vmem>>
    %dma_start3A_48 = tpu.memref_squeeze %dma_start3A_47 : memref<1x128xi32, #tpu.memory_space<vmem>> -> memref<128xi32, #tpu.memory_space<vmem>>
    %dma_start3A_49 = arith.constant 0 : i32
    %dma_start3A_50 = arith.constant 0 : i32
    %dma_start3A_51 = tpu.memref_slice %arg3[%dma_start3A_49, %dma_start3A_50] : memref<1000000x64xf32, #tpu.memory_space<hbm>> -> memref<1000000x64xf32, #tpu.memory_space<hbm>>
    tpu.enqueue_indirect_dma source(%dma_start3A_51 : memref<1000000x64xf32, #tpu.memory_space<hbm>>) target(%dma_start3A_45 : memref<128x64xf32, #tpu.memory_space<vmem>>) offsets(%dma_start3A_48 : memref<128xi32, #tpu.memory_space<vmem>>) semaphore(%arg8 : memref<!tpu.dma_semaphore, #tpu.memory_space<semaphore_mem>>)
    %scan3A = arith.constant 0 : i32
    %scan3A_52 = arith.constant 20 : i32
    %scan3A_53 = arith.addi %scan3A, %scan3A_52 : i32
    %scan3A_54 = arith.constant 1 : i32
    scf.for %scan3A_56 = %scan3A to %scan3A_53 step %scan3A_54  : i32 {
      %mul3A_57 = arith.constant 2 : i32
      %mul3A_58 = arith.muli %scan3A_56, %mul3A_57 : i32
      %add3A_59 = arith.constant 0 : i32
      %add3A_60 = arith.addi %add3A_59, %mul3A_58 : i32
      %add3A_61 = arith.constant 0 : i32
      %add3A_62 = arith.addi %add3A_60, %add3A_61 : i32
      %add3A_63 = arith.constant 1 : i32
      %add3A_64 = arith.addi %add3A_62, %add3A_63 : i32
      %lt3A = arith.constant 40 : i32
      %lt3A_65 = arith.cmpi slt, %add3A_64, %lt3A : i32
      %convert_element_type3A = arith.extui %lt3A_65 : i1 to i32
      %cond3A = arith.constant 0 : i32
      %cond3A_66 = arith.cmpi ne, %convert_element_type3A, %cond3A : i32
      scf.if %cond3A_66 {
        %add3A_107 = arith.constant 1 : i32
        %add3A_108 = arith.addi %add3A_62, %add3A_107 : i32
        %mul3A_109 = arith.constant 5 : i32
        %mul3A_110 = arith.muli %add3A_108, %mul3A_109 : i32
        %add3A_111 = arith.constant 0 : i32
        %add3A_112 = arith.addi %mul3A_110, %add3A_111 : i32
        %dma_start3A_113 = arith.constant 0 : i32
        %dma_start3A_114 = arith.constant 0 : i32
        %dma_start3A_115 = tpu.memref_slice %arg7[%dma_start3A_113, %dma_start3A_114] : memref<640x64xf32, #tpu.memory_space<vmem>> -> memref<128x64xf32, #tpu.memory_space<vmem>>
        %dma_start3A_116 = arith.constant 0 : i32
        %dma_start3A_117 = tpu.memref_slice %arg5[%add3A_112, %dma_start3A_116] : memref<200x128xi32, #tpu.memory_space<vmem>> -> memref<1x128xi32, #tpu.memory_space<vmem>>
        %dma_start3A_118 = tpu.memref_squeeze %dma_start3A_117 : memref<1x128xi32, #tpu.memory_space<vmem>> -> memref<128xi32, #tpu.memory_space<vmem>>
        %dma_start3A_119 = arith.constant 0 : i32
        %dma_start3A_120 = arith.constant 0 : i32
        %dma_start3A_121 = tpu.memref_slice %arg3[%dma_start3A_119, %dma_start3A_120] : memref<1000000x64xf32, #tpu.memory_space<hbm>> -> memref<1000000x64xf32, #tpu.memory_space<hbm>>
        tpu.enqueue_indirect_dma source(%dma_start3A_121 : memref<1000000x64xf32, #tpu.memory_space<hbm>>) target(%dma_start3A_115 : memref<128x64xf32, #tpu.memory_space<vmem>>) offsets(%dma_start3A_118 : memref<128xi32, #tpu.memory_space<vmem>>) semaphore(%arg9 : memref<!tpu.dma_semaphore, #tpu.memory_space<semaphore_mem>>)
        %mul3A_122 = arith.constant 5 : i32
        %mul3A_123 = arith.muli %add3A_108, %mul3A_122 : i32
        %add3A_124 = arith.constant 1 : i32
        %add3A_125 = arith.addi %mul3A_123, %add3A_124 : i32
        %dma_start3A_126 = arith.constant 128 : i32
        %dma_start3A_127 = arith.constant 0 : i32
        %dma_start3A_128 = tpu.memref_slice %arg7[%dma_start3A_126, %dma_start3A_127] : memref<640x64xf32, #tpu.memory_space<vmem>> -> memref<128x64xf32, #tpu.memory_space<vmem>>
        %dma_start3A_129 = arith.constant 0 : i32
        %dma_start3A_130 = tpu.memref_slice %arg5[%add3A_125, %dma_start3A_129] : memref<200x128xi32, #tpu.memory_space<vmem>> -> memref<1x128xi32, #tpu.memory_space<vmem>>
        %dma_start3A_131 = tpu.memref_squeeze %dma_start3A_130 : memref<1x128xi32, #tpu.memory_space<vmem>> -> memref<128xi32, #tpu.memory_space<vmem>>
        %dma_start3A_132 = arith.constant 0 : i32
        %dma_start3A_133 = arith.constant 0 : i32
        %dma_start3A_134 = tpu.memref_slice %arg3[%dma_start3A_132, %dma_start3A_133] : memref<1000000x64xf32, #tpu.memory_space<hbm>> -> memref<1000000x64xf32, #tpu.memory_space<hbm>>
        tpu.enqueue_indirect_dma source(%dma_start3A_134 : memref<1000000x64xf32, #tpu.memory_space<hbm>>) target(%dma_start3A_128 : memref<128x64xf32, #tpu.memory_space<vmem>>) offsets(%dma_start3A_131 : memref<128xi32, #tpu.memory_space<vmem>>) semaphore(%arg9 : memref<!tpu.dma_semaphore, #tpu.memory_space<semaphore_mem>>)
        %mul3A_135 = arith.constant 5 : i32
        %mul3A_136 = arith.muli %add3A_108, %mul3A_135 : i32
        %add3A_137 = arith.constant 2 : i32
        %add3A_138 = arith.addi %mul3A_136, %add3A_137 : i32
        %dma_start3A_139 = arith.constant 256 : i32
        %dma_start3A_140 = arith.constant 0 : i32
        %dma_start3A_141 = tpu.memref_slice %arg7[%dma_start3A_139, %dma_start3A_140] : memref<640x64xf32, #tpu.memory_space<vmem>> -> memref<128x64xf32, #tpu.memory_space<vmem>>
        %dma_start3A_142 = arith.constant 0 : i32
        %dma_start3A_143 = tpu.memref_slice %arg5[%add3A_138, %dma_start3A_142] : memref<200x128xi32, #tpu.memory_space<vmem>> -> memref<1x128xi32, #tpu.memory_space<vmem>>
        %dma_start3A_144 = tpu.memref_squeeze %dma_start3A_143 : memref<1x128xi32, #tpu.memory_space<vmem>> -> memref<128xi32, #tpu.memory_space<vmem>>
        %dma_start3A_145 = arith.constant 0 : i32
        %dma_start3A_146 = arith.constant 0 : i32
        %dma_start3A_147 = tpu.memref_slice %arg3[%dma_start3A_145, %dma_start3A_146] : memref<1000000x64xf32, #tpu.memory_space<hbm>> -> memref<1000000x64xf32, #tpu.memory_space<hbm>>
        tpu.enqueue_indirect_dma source(%dma_start3A_147 : memref<1000000x64xf32, #tpu.memory_space<hbm>>) target(%dma_start3A_141 : memref<128x64xf32, #tpu.memory_space<vmem>>) offsets(%dma_start3A_144 : memref<128xi32, #tpu.memory_space<vmem>>) semaphore(%arg9 : memref<!tpu.dma_semaphore, #tpu.memory_space<semaphore_mem>>)
        %mul3A_148 = arith.constant 5 : i32
        %mul3A_149 = arith.muli %add3A_108, %mul3A_148 : i32
        %add3A_150 = arith.constant 3 : i32
        %add3A_151 = arith.addi %mul3A_149, %add3A_150 : i32
        %dma_start3A_152 = arith.constant 384 : i32
        %dma_start3A_153 = arith.constant 0 : i32
        %dma_start3A_154 = tpu.memref_slice %arg7[%dma_start3A_152, %dma_start3A_153] : memref<640x64xf32, #tpu.memory_space<vmem>> -> memref<128x64xf32, #tpu.memory_space<vmem>>
        %dma_start3A_155 = arith.constant 0 : i32
        %dma_start3A_156 = tpu.memref_slice %arg5[%add3A_151, %dma_start3A_155] : memref<200x128xi32, #tpu.memory_space<vmem>> -> memref<1x128xi32, #tpu.memory_space<vmem>>
        %dma_start3A_157 = tpu.memref_squeeze %dma_start3A_156 : memref<1x128xi32, #tpu.memory_space<vmem>> -> memref<128xi32, #tpu.memory_space<vmem>>
        %dma_start3A_158 = arith.constant 0 : i32
        %dma_start3A_159 = arith.constant 0 : i32
        %dma_start3A_160 = tpu.memref_slice %arg3[%dma_start3A_158, %dma_start3A_159] : memref<1000000x64xf32, #tpu.memory_space<hbm>> -> memref<1000000x64xf32, #tpu.memory_space<hbm>>
        tpu.enqueue_indirect_dma source(%dma_start3A_160 : memref<1000000x64xf32, #tpu.memory_space<hbm>>) target(%dma_start3A_154 : memref<128x64xf32, #tpu.memory_space<vmem>>) offsets(%dma_start3A_157 : memref<128xi32, #tpu.memory_space<vmem>>) semaphore(%arg9 : memref<!tpu.dma_semaphore, #tpu.memory_space<semaphore_mem>>)
        %mul3A_161 = arith.constant 5 : i32
        %mul3A_162 = arith.muli %add3A_108, %mul3A_161 : i32
        %add3A_163 = arith.constant 4 : i32
        %add3A_164 = arith.addi %mul3A_162, %add3A_163 : i32
        %dma_start3A_165 = arith.constant 512 : i32
        %dma_start3A_166 = arith.constant 0 : i32
        %dma_start3A_167 = tpu.memref_slice %arg7[%dma_start3A_165, %dma_start3A_166] : memref<640x64xf32, #tpu.memory_space<vmem>> -> memref<128x64xf32, #tpu.memory_space<vmem>>
        %dma_start3A_168 = arith.constant 0 : i32
        %dma_start3A_169 = tpu.memref_slice %arg5[%add3A_164, %dma_start3A_168] : memref<200x128xi32, #tpu.memory_space<vmem>> -> memref<1x128xi32, #tpu.memory_space<vmem>>
        %dma_start3A_170 = tpu.memref_squeeze %dma_start3A_169 : memref<1x128xi32, #tpu.memory_space<vmem>> -> memref<128xi32, #tpu.memory_space<vmem>>
        %dma_start3A_171 = arith.constant 0 : i32
        %dma_start3A_172 = arith.constant 0 : i32
        %dma_start3A_173 = tpu.memref_slice %arg3[%dma_start3A_171, %dma_start3A_172] : memref<1000000x64xf32, #tpu.memory_space<hbm>> -> memref<1000000x64xf32, #tpu.memory_space<hbm>>
        tpu.enqueue_indirect_dma source(%dma_start3A_173 : memref<1000000x64xf32, #tpu.memory_space<hbm>>) target(%dma_start3A_167 : memref<128x64xf32, #tpu.memory_space<vmem>>) offsets(%dma_start3A_170 : memref<128xi32, #tpu.memory_space<vmem>>) semaphore(%arg9 : memref<!tpu.dma_semaphore, #tpu.memory_space<semaphore_mem>>)
      } else {
      }
      %dma_wait3A = arith.constant 0 : i32
      %dma_wait3A_67 = arith.constant 0 : i32
      %dma_wait3A_68 = tpu.memref_slice %arg3[%dma_wait3A, %dma_wait3A_67] : memref<1000000x64xf32, #tpu.memory_space<hbm>> -> memref<640x64xf32, #tpu.memory_space<hbm>>
      %dma_wait3A_69 = arith.constant 0 : i32
      %dma_wait3A_70 = arith.constant 0 : i32
      %dma_wait3A_71 = tpu.memref_slice %arg3[%dma_wait3A_69, %dma_wait3A_70] : memref<1000000x64xf32, #tpu.memory_space<hbm>> -> memref<640x64xf32, #tpu.memory_space<hbm>>
      tpu.wait_dma2 semaphore(%arg8 : memref<!tpu.dma_semaphore, #tpu.memory_space<semaphore_mem>>) src(%dma_wait3A_71 : memref<640x64xf32, #tpu.memory_space<hbm>>) dst(%arg6 : memref<640x64xf32, #tpu.memory_space<vmem>>)
      %scan3A_72 = arith.constant 0 : i32
      %scan3A_73 = arith.constant 640 : i32
      %scan3A_74 = arith.addi %scan3A_72, %scan3A_73 : i32
      %scan3A_75 = arith.constant 8 : i32
      scf.for %scan3A_107 = %scan3A_72 to %scan3A_74 step %scan3A_75  : i32 {
        %mul3A_108 = arith.constant 1 : i32
        %mul3A_109 = arith.muli %scan3A_107, %mul3A_108 : i32
        %add3A_110 = arith.constant 0 : i32
        %add3A_111 = arith.addi %add3A_110, %mul3A_109 : i32
        %get3A = arith.index_cast %add3A_111 : i32 to index
        %get3A_112 = arith.constant 0 : index
        %get3A_113 = tpu.vector_load %arg6[%get3A, %get3A_112] {strides = array<i32>} : memref<640x64xf32, #tpu.memory_space<vmem>>, vector<16xf32>,
        %mul3A_114 = arith.constant 8.000000e+00 : f32
        %mul3A_115 = vector.broadcast %mul3A_114 : f32 to vector<16xf32>
        %mul3A_116 = arith.mulf %get3A_113, %mul3A_115 : vector<16xf32>
        %swap3A = arith.index_cast %add3A_111 : i32 to index
        %swap3A_117 = arith.constant 0 : index
        %swap3A_118 = tpu.vector_load %arg6[%swap3A, %swap3A_117] {strides = array<i32>} : memref<640x64xf32, #tpu.memory_space<vmem>>, vector<16xf32>,
        tpu.vector_store %arg6[%swap3A, %swap3A_117], %mul3A_116 {strides = array<i32>} : memref<640x64xf32, #tpu.memory_space<vmem>>, vector<16xf32>,
        %get3A_119 = arith.index_cast %add3A_111 : i32 to index
        %get3A_120 = arith.constant 16 : index
        %get3A_121 = tpu.vector_load %arg6[%get3A_119, %get3A_120] {strides = array<i32>} : memref<640x64xf32, #tpu.memory_space<vmem>>, vector<16xf32>,
        %mul3A_122 = arith.constant 8.000000e+00 : f32
        %mul3A_123 = vector.broadcast %mul3A_122 : f32 to vector<16xf32>
        %mul3A_124 = arith.mulf %get3A_121, %mul3A_123 : vector<16xf32>
        %swap3A_125 = arith.index_cast %add3A_111 : i32 to index
        %swap3A_126 = arith.constant 16 : index
        %swap3A_127 = tpu.vector_load %arg6[%swap3A_125, %swap3A_126] {strides = array<i32>} : memref<640x64xf32, #tpu.memory_space<vmem>>, vector<16xf32>,
        tpu.vector_store %arg6[%swap3A_125, %swap3A_126], %mul3A_124 {strides = array<i32>} : memref<640x64xf32, #tpu.memory_space<vmem>>, vector<16xf32>,
        %get3A_128 = arith.index_cast %add3A_111 : i32 to index
        %get3A_129 = arith.constant 32 : index
        %get3A_130 = tpu.vector_load %arg6[%get3A_128, %get3A_129] {strides = array<i32>} : memref<640x64xf32, #tpu.memory_space<vmem>>, vector<16xf32>,
        %mul3A_131 = arith.constant 8.000000e+00 : f32
        %mul3A_132 = vector.broadcast %mul3A_131 : f32 to vector<16xf32>
        %mul3A_133 = arith.mulf %get3A_130, %mul3A_132 : vector<16xf32>
        %swap3A_134 = arith.index_cast %add3A_111 : i32 to index
        %swap3A_135 = arith.constant 32 : index
        %swap3A_136 = tpu.vector_load %arg6[%swap3A_134, %swap3A_135] {strides = array<i32>} : memref<640x64xf32, #tpu.memory_space<vmem>>, vector<16xf32>,
        tpu.vector_store %arg6[%swap3A_134, %swap3A_135], %mul3A_133 {strides = array<i32>} : memref<640x64xf32, #tpu.memory_space<vmem>>, vector<16xf32>,
        %get3A_137 = arith.index_cast %add3A_111 : i32 to index
        %get3A_138 = arith.constant 48 : index
        %get3A_139 = tpu.vector_load %arg6[%get3A_137, %get3A_138] {strides = array<i32>} : memref<640x64xf32, #tpu.memory_space<vmem>>, vector<16xf32>,
        %mul3A_140 = arith.constant 8.000000e+00 : f32
        %mul3A_141 = vector.broadcast %mul3A_140 : f32 to vector<16xf32>
        %mul3A_142 = arith.mulf %get3A_139, %mul3A_141 : vector<16xf32>
        %swap3A_143 = arith.index_cast %add3A_111 : i32 to index
        %swap3A_144 = arith.constant 48 : index
        %swap3A_145 = tpu.vector_load %arg6[%swap3A_143, %swap3A_144] {strides = array<i32>} : memref<640x64xf32, #tpu.memory_space<vmem>>, vector<16xf32>,
        tpu.vector_store %arg6[%swap3A_143, %swap3A_144], %mul3A_142 {strides = array<i32>} : memref<640x64xf32, #tpu.memory_space<vmem>>, vector<16xf32>,
        %scan3A_146 = arith.constant 1 : i32
        %scan3A_147 = arith.addi %scan3A_107, %scan3A_146 : i32
        %mul3A_148 = arith.constant 1 : i32
        %mul3A_149 = arith.muli %scan3A_147, %mul3A_148 : i32
        %add3A_150 = arith.constant 0 : i32
        %add3A_151 = arith.addi %add3A_150, %mul3A_149 : i32
        %get3A_152 = arith.index_cast %add3A_151 : i32 to index
        %get3A_153 = arith.constant 0 : index
        %get3A_154 = tpu.vector_load %arg6[%get3A_152, %get3A_153] {strides = array<i32>} : memref<640x64xf32, #tpu.memory_space<vmem>>, vector<16xf32>,
        %mul3A_155 = arith.constant 8.000000e+00 : f32
        %mul3A_156 = vector.broadcast %mul3A_155 : f32 to vector<16xf32>
        %mul3A_157 = arith.mulf %get3A_154, %mul3A_156 : vector<16xf32>
        %swap3A_158 = arith.index_cast %add3A_151 : i32 to index
        %swap3A_159 = arith.constant 0 : index
        %swap3A_160 = tpu.vector_load %arg6[%swap3A_158, %swap3A_159] {strides = array<i32>} : memref<640x64xf32, #tpu.memory_space<vmem>>, vector<16xf32>,
        tpu.vector_store %arg6[%swap3A_158, %swap3A_159], %mul3A_157 {strides = array<i32>} : memref<640x64xf32, #tpu.memory_space<vmem>>, vector<16xf32>,
        %get3A_161 = arith.index_cast %add3A_151 : i32 to index
        %get3A_162 = arith.constant 16 : index
        %get3A_163 = tpu.vector_load %arg6[%get3A_161, %get3A_162] {strides = array<i32>} : memref<640x64xf32, #tpu.memory_space<vmem>>, vector<16xf32>,
        %mul3A_164 = arith.constant 8.000000e+00 : f32
        %mul3A_165 = vector.broadcast %mul3A_164 : f32 to vector<16xf32>
        %mul3A_166 = arith.mulf %get3A_163, %mul3A_165 : vector<16xf32>
        %swap3A_167 = arith.index_cast %add3A_151 : i32 to index
        %swap3A_168 = arith.constant 16 : index
        %swap3A_169 = tpu.vector_load %arg6[%swap3A_167, %swap3A_168] {strides = array<i32>} : memref<640x64xf32, #tpu.memory_space<vmem>>, vector<16xf32>,
        tpu.vector_store %arg6[%swap3A_167, %swap3A_168], %mul3A_166 {strides = array<i32>} : memref<640x64xf32, #tpu.memory_space<vmem>>, vector<16xf32>,
        %get3A_170 = arith.index_cast %add3A_151 : i32 to index
        %get3A_171 = arith.constant 32 : index
        %get3A_172 = tpu.vector_load %arg6[%get3A_170, %get3A_171] {strides = array<i32>} : memref<640x64xf32, #tpu.memory_space<vmem>>, vector<16xf32>,
        %mul3A_173 = arith.constant 8.000000e+00 : f32
        %mul3A_174 = vector.broadcast %mul3A_173 : f32 to vector<16xf32>
        %mul3A_175 = arith.mulf %get3A_172, %mul3A_174 : vector<16xf32>
        %swap3A_176 = arith.index_cast %add3A_151 : i32 to index
        %swap3A_177 = arith.constant 32 : index
        %swap3A_178 = tpu.vector_load %arg6[%swap3A_176, %swap3A_177] {strides = array<i32>} : memref<640x64xf32, #tpu.memory_space<vmem>>, vector<16xf32>,
        tpu.vector_store %arg6[%swap3A_176, %swap3A_177], %mul3A_175 {strides = array<i32>} : memref<640x64xf32, #tpu.memory_space<vmem>>, vector<16xf32>,
        %get3A_179 = arith.index_cast %add3A_151 : i32 to index
        %get3A_180 = arith.constant 48 : index
        %get3A_181 = tpu.vector_load %arg6[%get3A_179, %get3A_180] {strides = array<i32>} : memref<640x64xf32, #tpu.memory_space<vmem>>, vector<16xf32>,
        %mul3A_182 = arith.constant 8.000000e+00 : f32
        %mul3A_183 = vector.broadcast %mul3A_182 : f32 to vector<16xf32>
        %mul3A_184 = arith.mulf %get3A_181, %mul3A_183 : vector<16xf32>
        %swap3A_185 = arith.index_cast %add3A_151 : i32 to index
        %swap3A_186 = arith.constant 48 : index
        %swap3A_187 = tpu.vector_load %arg6[%swap3A_185, %swap3A_186] {strides = array<i32>} : memref<640x64xf32, #tpu.memory_space<vmem>>, vector<16xf32>,
        tpu.vector_store %arg6[%swap3A_185, %swap3A_186], %mul3A_184 {strides = array<i32>} : memref<640x64xf32, #tpu.memory_space<vmem>>, vector<16xf32>,
        %scan3A_188 = arith.constant 2 : i32
        %scan3A_189 = arith.addi %scan3A_107, %scan3A_188 : i32
        %mul3A_190 = arith.constant 1 : i32
        %mul3A_191 = arith.muli %scan3A_189, %mul3A_190 : i32
        %add3A_192 = arith.constant 0 : i32
        %add3A_193 = arith.addi %add3A_192, %mul3A_191 : i32
        %get3A_194 = arith.index_cast %add3A_193 : i32 to index
        %get3A_195 = arith.constant 0 : index
        %get3A_196 = tpu.vector_load %arg6[%get3A_194, %get3A_195] {strides = array<i32>} : memref<640x64xf32, #tpu.memory_space<vmem>>, vector<16xf32>,
        %mul3A_197 = arith.constant 8.000000e+00 : f32
        %mul3A_198 = vector.broadcast %mul3A_197 : f32 to vector<16xf32>
        %mul3A_199 = arith.mulf %get3A_196, %mul3A_198 : vector<16xf32>
        %swap3A_200 = arith.index_cast %add3A_193 : i32 to index
        %swap3A_201 = arith.constant 0 : index
        %swap3A_202 = tpu.vector_load %arg6[%swap3A_200, %swap3A_201] {strides = array<i32>} : memref<640x64xf32, #tpu.memory_space<vmem>>, vector<16xf32>,
        tpu.vector_store %arg6[%swap3A_200, %swap3A_201], %mul3A_199 {strides = array<i32>} : memref<640x64xf32, #tpu.memory_space<vmem>>, vector<16xf32>,
        %get3A_203 = arith.index_cast %add3A_193 : i32 to index
        %get3A_204 = arith.constant 16 : index
        %get3A_205 = tpu.vector_load %arg6[%get3A_203, %get3A_204] {strides = array<i32>} : memref<640x64xf32, #tpu.memory_space<vmem>>, vector<16xf32>,
        %mul3A_206 = arith.constant 8.000000e+00 : f32
        %mul3A_207 = vector.broadcast %mul3A_206 : f32 to vector<16xf32>
        %mul3A_208 = arith.mulf %get3A_205, %mul3A_207 : vector<16xf32>
        %swap3A_209 = arith.index_cast %add3A_193 : i32 to index
        %swap3A_210 = arith.constant 16 : index
        %swap3A_211 = tpu.vector_load %arg6[%swap3A_209, %swap3A_210] {strides = array<i32>} : memref<640x64xf32, #tpu.memory_space<vmem>>, vector<16xf32>,
        tpu.vector_store %arg6[%swap3A_209, %swap3A_210], %mul3A_208 {strides = array<i32>} : memref<640x64xf32, #tpu.memory_space<vmem>>, vector<16xf32>,
        %get3A_212 = arith.index_cast %add3A_193 : i32 to index
        %get3A_213 = arith.constant 32 : index
        %get3A_214 = tpu.vector_load %arg6[%get3A_212, %get3A_213] {strides = array<i32>} : memref<640x64xf32, #tpu.memory_space<vmem>>, vector<16xf32>,
        %mul3A_215 = arith.constant 8.000000e+00 : f32
        %mul3A_216 = vector.broadcast %mul3A_215 : f32 to vector<16xf32>
        %mul3A_217 = arith.mulf %get3A_214, %mul3A_216 : vector<16xf32>
        %swap3A_218 = arith.index_cast %add3A_193 : i32 to index
        %swap3A_219 = arith.constant 32 : index
        %swap3A_220 = tpu.vector_load %arg6[%swap3A_218, %swap3A_219] {strides = array<i32>} : memref<640x64xf32, #tpu.memory_space<vmem>>, vector<16xf32>,
        tpu.vector_store %arg6[%swap3A_218, %swap3A_219], %mul3A_217 {strides = array<i32>} : memref<640x64xf32, #tpu.memory_space<vmem>>, vector<16xf32>,
        %get3A_221 = arith.index_cast %add3A_193 : i32 to index
        %get3A_222 = arith.constant 48 : index
        %get3A_223 = tpu.vector_load %arg6[%get3A_221, %get3A_222] {strides = array<i32>} : memref<640x64xf32, #tpu.memory_space<vmem>>, vector<16xf32>,
        %mul3A_224 = arith.constant 8.000000e+00 : f32
        %mul3A_225 = vector.broadcast %mul3A_224 : f32 to vector<16xf32>
        %mul3A_226 = arith.mulf %get3A_223, %mul3A_225 : vector<16xf32>
        %swap3A_227 = arith.index_cast %add3A_193 : i32 to index
        %swap3A_228 = arith.constant 48 : index
        %swap3A_229 = tpu.vector_load %arg6[%swap3A_227, %swap3A_228] {strides = array<i32>} : memref<640x64xf32, #tpu.memory_space<vmem>>, vector<16xf32>,
        tpu.vector_store %arg6[%swap3A_227, %swap3A_228], %mul3A_226 {strides = array<i32>} : memref<640x64xf32, #tpu.memory_space<vmem>>, vector<16xf32>,
        %scan3A_230 = arith.constant 3 : i32
        %scan3A_231 = arith.addi %scan3A_107, %scan3A_230 : i32
        %mul3A_232 = arith.constant 1 : i32
        %mul3A_233 = arith.muli %scan3A_231, %mul3A_232 : i32
        %add3A_234 = arith.constant 0 : i32
        %add3A_235 = arith.addi %add3A_234, %mul3A_233 : i32
        %get3A_236 = arith.index_cast %add3A_235 : i32 to index
        %get3A_237 = arith.constant 0 : index
        %get3A_238 = tpu.vector_load %arg6[%get3A_236, %get3A_237] {strides = array<i32>} : memref<640x64xf32, #tpu.memory_space<vmem>>, vector<16xf32>,
        %mul3A_239 = arith.constant 8.000000e+00 : f32
        %mul3A_240 = vector.broadcast %mul3A_239 : f32 to vector<16xf32>
        %mul3A_241 = arith.mulf %get3A_238, %mul3A_240 : vector<16xf32>
        %swap3A_242 = arith.index_cast %add3A_235 : i32 to index
        %swap3A_243 = arith.constant 0 : index
        %swap3A_244 = tpu.vector_load %arg6[%swap3A_242, %swap3A_243] {strides = array<i32>} : memref<640x64xf32, #tpu.memory_space<vmem>>, vector<16xf32>,
        tpu.vector_store %arg6[%swap3A_242, %swap3A_243], %mul3A_241 {strides = array<i32>} : memref<640x64xf32, #tpu.memory_space<vmem>>, vector<16xf32>,
        %get3A_245 = arith.index_cast %add3A_235 : i32 to index
        %get3A_246 = arith.constant 16 : index
        %get3A_247 = tpu.vector_load %arg6[%get3A_245, %get3A_246] {strides = array<i32>} : memref<640x64xf32, #tpu.memory_space<vmem>>, vector<16xf32>,
        %mul3A_248 = arith.constant 8.000000e+00 : f32
        %mul3A_249 = vector.broadcast %mul3A_248 : f32 to vector<16xf32>
        %mul3A_250 = arith.mulf %get3A_247, %mul3A_249 : vector<16xf32>
        %swap3A_251 = arith.index_cast %add3A_235 : i32 to index
        %swap3A_252 = arith.constant 16 : index
        %swap3A_253 = tpu.vector_load %arg6[%swap3A_251, %swap3A_252] {strides = array<i32>} : memref<640x64xf32, #tpu.memory_space<vmem>>, vector<16xf32>,
        tpu.vector_store %arg6[%swap3A_251, %swap3A_252], %mul3A_250 {strides = array<i32>} : memref<640x64xf32, #tpu.memory_space<vmem>>, vector<16xf32>,
        %get3A_254 = arith.index_cast %add3A_235 : i32 to index
        %get3A_255 = arith.constant 32 : index
        %get3A_256 = tpu.vector_load %arg6[%get3A_254, %get3A_255] {strides = array<i32>} : memref<640x64xf32, #tpu.memory_space<vmem>>, vector<16xf32>,
        %mul3A_257 = arith.constant 8.000000e+00 : f32
        %mul3A_258 = vector.broadcast %mul3A_257 : f32 to vector<16xf32>
        %mul3A_259 = arith.mulf %get3A_256, %mul3A_258 : vector<16xf32>
        %swap3A_260 = arith.index_cast %add3A_235 : i32 to index
        %swap3A_261 = arith.constant 32 : index
        %swap3A_262 = tpu.vector_load %arg6[%swap3A_260, %swap3A_261] {strides = array<i32>} : memref<640x64xf32, #tpu.memory_space<vmem>>, vector<16xf32>,
        tpu.vector_store %arg6[%swap3A_260, %swap3A_261], %mul3A_259 {strides = array<i32>} : memref<640x64xf32, #tpu.memory_space<vmem>>, vector<16xf32>,
        %get3A_263 = arith.index_cast %add3A_235 : i32 to index
        %get3A_264 = arith.constant 48 : index
        %get3A_265 = tpu.vector_load %arg6[%get3A_263, %get3A_264] {strides = array<i32>} : memref<640x64xf32, #tpu.memory_space<vmem>>, vector<16xf32>,
        %mul3A_266 = arith.constant 8.000000e+00 : f32
        %mul3A_267 = vector.broadcast %mul3A_266 : f32 to vector<16xf32>
        %mul3A_268 = arith.mulf %get3A_265, %mul3A_267 : vector<16xf32>
        %swap3A_269 = arith.index_cast %add3A_235 : i32 to index
        %swap3A_270 = arith.constant 48 : index
        %swap3A_271 = tpu.vector_load %arg6[%swap3A_269, %swap3A_270] {strides = array<i32>} : memref<640x64xf32, #tpu.memory_space<vmem>>, vector<16xf32>,
        tpu.vector_store %arg6[%swap3A_269, %swap3A_270], %mul3A_268 {strides = array<i32>} : memref<640x64xf32, #tpu.memory_space<vmem>>, vector<16xf32>,
        %scan3A_272 = arith.constant 4 : i32
        %scan3A_273 = arith.addi %scan3A_107, %scan3A_272 : i32
        %mul3A_274 = arith.constant 1 : i32
        %mul3A_275 = arith.muli %scan3A_273, %mul3A_274 : i32
        %add3A_276 = arith.constant 0 : i32
        %add3A_277 = arith.addi %add3A_276, %mul3A_275 : i32
        %get3A_278 = arith.index_cast %add3A_277 : i32 to index
        %get3A_279 = arith.constant 0 : index
        %get3A_280 = tpu.vector_load %arg6[%get3A_278, %get3A_279] {strides = array<i32>} : memref<640x64xf32, #tpu.memory_space<vmem>>, vector<16xf32>,
        %mul3A_281 = arith.constant 8.000000e+00 : f32
        %mul3A_282 = vector.broadcast %mul3A_281 : f32 to vector<16xf32>
        %mul3A_283 = arith.mulf %get3A_280, %mul3A_282 : vector<16xf32>
        %swap3A_284 = arith.index_cast %add3A_277 : i32 to index
        %swap3A_285 = arith.constant 0 : index
        %swap3A_286 = tpu.vector_load %arg6[%swap3A_284, %swap3A_285] {strides = array<i32>} : memref<640x64xf32, #tpu.memory_space<vmem>>, vector<16xf32>,
        tpu.vector_store %arg6[%swap3A_284, %swap3A_285], %mul3A_283 {strides = array<i32>} : memref<640x64xf32, #tpu.memory_space<vmem>>, vector<16xf32>,
        %get3A_287 = arith.index_cast %add3A_277 : i32 to index
        %get3A_288 = arith.constant 16 : index
        %get3A_289 = tpu.vector_load %arg6[%get3A_287, %get3A_288] {strides = array<i32>} : memref<640x64xf32, #tpu.memory_space<vmem>>, vector<16xf32>,
        %mul3A_290 = arith.constant 8.000000e+00 : f32
        %mul3A_291 = vector.broadcast %mul3A_290 : f32 to vector<16xf32>
        %mul3A_292 = arith.mulf %get3A_289, %mul3A_291 : vector<16xf32>
        %swap3A_293 = arith.index_cast %add3A_277 : i32 to index
        %swap3A_294 = arith.constant 16 : index
        %swap3A_295 = tpu.vector_load %arg6[%swap3A_293, %swap3A_294] {strides = array<i32>} : memref<640x64xf32, #tpu.memory_space<vmem>>, vector<16xf32>,
        tpu.vector_store %arg6[%swap3A_293, %swap3A_294], %mul3A_292 {strides = array<i32>} : memref<640x64xf32, #tpu.memory_space<vmem>>, vector<16xf32>,
        %get3A_296 = arith.index_cast %add3A_277 : i32 to index
        %get3A_297 = arith.constant 32 : index
        %get3A_298 = tpu.vector_load %arg6[%get3A_296, %get3A_297] {strides = array<i32>} : memref<640x64xf32, #tpu.memory_space<vmem>>, vector<16xf32>,
        %mul3A_299 = arith.constant 8.000000e+00 : f32
        %mul3A_300 = vector.broadcast %mul3A_299 : f32 to vector<16xf32>
        %mul3A_301 = arith.mulf %get3A_298, %mul3A_300 : vector<16xf32>
        %swap3A_302 = arith.index_cast %add3A_277 : i32 to index
        %swap3A_303 = arith.constant 32 : index
        %swap3A_304 = tpu.vector_load %arg6[%swap3A_302, %swap3A_303] {strides = array<i32>} : memref<640x64xf32, #tpu.memory_space<vmem>>, vector<16xf32>,
        tpu.vector_store %arg6[%swap3A_302, %swap3A_303], %mul3A_301 {strides = array<i32>} : memref<640x64xf32, #tpu.memory_space<vmem>>, vector<16xf32>,
        %get3A_305 = arith.index_cast %add3A_277 : i32 to index
        %get3A_306 = arith.constant 48 : index
        %get3A_307 = tpu.vector_load %arg6[%get3A_305, %get3A_306] {strides = array<i32>} : memref<640x64xf32, #tpu.memory_space<vmem>>, vector<16xf32>,
        %mul3A_308 = arith.constant 8.000000e+00 : f32
        %mul3A_309 = vector.broadcast %mul3A_308 : f32 to vector<16xf32>
        %mul3A_310 = arith.mulf %get3A_307, %mul3A_309 : vector<16xf32>
        %swap3A_311 = arith.index_cast %add3A_277 : i32 to index
        %swap3A_312 = arith.constant 48 : index
        %swap3A_313 = tpu.vector_load %arg6[%swap3A_311, %swap3A_312] {strides = array<i32>} : memref<640x64xf32, #tpu.memory_space<vmem>>, vector<16xf32>,
        tpu.vector_store %arg6[%swap3A_311, %swap3A_312], %mul3A_310 {strides = array<i32>} : memref<640x64xf32, #tpu.memory_space<vmem>>, vector<16xf32>,
        %scan3A_314 = arith.constant 5 : i32
        %scan3A_315 = arith.addi %scan3A_107, %scan3A_314 : i32
        %mul3A_316 = arith.constant 1 : i32
        %mul3A_317 = arith.muli %scan3A_315, %mul3A_316 : i32
        %add3A_318 = arith.constant 0 : i32
        %add3A_319 = arith.addi %add3A_318, %mul3A_317 : i32
        %get3A_320 = arith.index_cast %add3A_319 : i32 to index
        %get3A_321 = arith.constant 0 : index
        %get3A_322 = tpu.vector_load %arg6[%get3A_320, %get3A_321] {strides = array<i32>} : memref<640x64xf32, #tpu.memory_space<vmem>>, vector<16xf32>,
        %mul3A_323 = arith.constant 8.000000e+00 : f32
        %mul3A_324 = vector.broadcast %mul3A_323 : f32 to vector<16xf32>
        %mul3A_325 = arith.mulf %get3A_322, %mul3A_324 : vector<16xf32>
        %swap3A_326 = arith.index_cast %add3A_319 : i32 to index
        %swap3A_327 = arith.constant 0 : index
        %swap3A_328 = tpu.vector_load %arg6[%swap3A_326, %swap3A_327] {strides = array<i32>} : memref<640x64xf32, #tpu.memory_space<vmem>>, vector<16xf32>,
        tpu.vector_store %arg6[%swap3A_326, %swap3A_327], %mul3A_325 {strides = array<i32>} : memref<640x64xf32, #tpu.memory_space<vmem>>, vector<16xf32>,
        %get3A_329 = arith.index_cast %add3A_319 : i32 to index
        %get3A_330 = arith.constant 16 : index
        %get3A_331 = tpu.vector_load %arg6[%get3A_329, %get3A_330] {strides = array<i32>} : memref<640x64xf32, #tpu.memory_space<vmem>>, vector<16xf32>,
        %mul3A_332 = arith.constant 8.000000e+00 : f32
        %mul3A_333 = vector.broadcast %mul3A_332 : f32 to vector<16xf32>
        %mul3A_334 = arith.mulf %get3A_331, %mul3A_333 : vector<16xf32>
        %swap3A_335 = arith.index_cast %add3A_319 : i32 to index
        %swap3A_336 = arith.constant 16 : index
        %swap3A_337 = tpu.vector_load %arg6[%swap3A_335, %swap3A_336] {strides = array<i32>} : memref<640x64xf32, #tpu.memory_space<vmem>>, vector<16xf32>,
        tpu.vector_store %arg6[%swap3A_335, %swap3A_336], %mul3A_334 {strides = array<i32>} : memref<640x64xf32, #tpu.memory_space<vmem>>, vector<16xf32>,
        %get3A_338 = arith.index_cast %add3A_319 : i32 to index
        %get3A_339 = arith.constant 32 : index
        %get3A_340 = tpu.vector_load %arg6[%get3A_338, %get3A_339] {strides = array<i32>} : memref<640x64xf32, #tpu.memory_space<vmem>>, vector<16xf32>,
        %mul3A_341 = arith.constant 8.000000e+00 : f32
        %mul3A_342 = vector.broadcast %mul3A_341 : f32 to vector<16xf32>
        %mul3A_343 = arith.mulf %get3A_340, %mul3A_342 : vector<16xf32>
        %swap3A_344 = arith.index_cast %add3A_319 : i32 to index
        %swap3A_345 = arith.constant 32 : index
        %swap3A_346 = tpu.vector_load %arg6[%swap3A_344, %swap3A_345] {strides = array<i32>} : memref<640x64xf32, #tpu.memory_space<vmem>>, vector<16xf32>,
        tpu.vector_store %arg6[%swap3A_344, %swap3A_345], %mul3A_343 {strides = array<i32>} : memref<640x64xf32, #tpu.memory_space<vmem>>, vector<16xf32>,
        %get3A_347 = arith.index_cast %add3A_319 : i32 to index
        %get3A_348 = arith.constant 48 : index
        %get3A_349 = tpu.vector_load %arg6[%get3A_347, %get3A_348] {strides = array<i32>} : memref<640x64xf32, #tpu.memory_space<vmem>>, vector<16xf32>,
        %mul3A_350 = arith.constant 8.000000e+00 : f32
        %mul3A_351 = vector.broadcast %mul3A_350 : f32 to vector<16xf32>
        %mul3A_352 = arith.mulf %get3A_349, %mul3A_351 : vector<16xf32>
        %swap3A_353 = arith.index_cast %add3A_319 : i32 to index
        %swap3A_354 = arith.constant 48 : index
        %swap3A_355 = tpu.vector_load %arg6[%swap3A_353, %swap3A_354] {strides = array<i32>} : memref<640x64xf32, #tpu.memory_space<vmem>>, vector<16xf32>,
        tpu.vector_store %arg6[%swap3A_353, %swap3A_354], %mul3A_352 {strides = array<i32>} : memref<640x64xf32, #tpu.memory_space<vmem>>, vector<16xf32>,
        %scan3A_356 = arith.constant 6 : i32
        %scan3A_357 = arith.addi %scan3A_107, %scan3A_356 : i32
        %mul3A_358 = arith.constant 1 : i32
        %mul3A_359 = arith.muli %scan3A_357, %mul3A_358 : i32
        %add3A_360 = arith.constant 0 : i32
        %add3A_361 = arith.addi %add3A_360, %mul3A_359 : i32
        %get3A_362 = arith.index_cast %add3A_361 : i32 to index
        %get3A_363 = arith.constant 0 : index
        %get3A_364 = tpu.vector_load %arg6[%get3A_362, %get3A_363] {strides = array<i32>} : memref<640x64xf32, #tpu.memory_space<vmem>>, vector<16xf32>,
        %mul3A_365 = arith.constant 8.000000e+00 : f32
        %mul3A_366 = vector.broadcast %mul3A_365 : f32 to vector<16xf32>
        %mul3A_367 = arith.mulf %get3A_364, %mul3A_366 : vector<16xf32>
        %swap3A_368 = arith.index_cast %add3A_361 : i32 to index
        %swap3A_369 = arith.constant 0 : index
        %swap3A_370 = tpu.vector_load %arg6[%swap3A_368, %swap3A_369] {strides = array<i32>} : memref<640x64xf32, #tpu.memory_space<vmem>>, vector<16xf32>,
        tpu.vector_store %arg6[%swap3A_368, %swap3A_369], %mul3A_367 {strides = array<i32>} : memref<640x64xf32, #tpu.memory_space<vmem>>, vector<16xf32>,
        %get3A_371 = arith.index_cast %add3A_361 : i32 to index
        %get3A_372 = arith.constant 16 : index
        %get3A_373 = tpu.vector_load %arg6[%get3A_371, %get3A_372] {strides = array<i32>} : memref<640x64xf32, #tpu.memory_space<vmem>>, vector<16xf32>,
        %mul3A_374 = arith.constant 8.000000e+00 : f32
        %mul3A_375 = vector.broadcast %mul3A_374 : f32 to vector<16xf32>
        %mul3A_376 = arith.mulf %get3A_373, %mul3A_375 : vector<16xf32>
        %swap3A_377 = arith.index_cast %add3A_361 : i32 to index
        %swap3A_378 = arith.constant 16 : index
        %swap3A_379 = tpu.vector_load %arg6[%swap3A_377, %swap3A_378] {strides = array<i32>} : memref<640x64xf32, #tpu.memory_space<vmem>>, vector<16xf32>,
        tpu.vector_store %arg6[%swap3A_377, %swap3A_378], %mul3A_376 {strides = array<i32>} : memref<640x64xf32, #tpu.memory_space<vmem>>, vector<16xf32>,
        %get3A_380 = arith.index_cast %add3A_361 : i32 to index
        %get3A_381 = arith.constant 32 : index
        %get3A_382 = tpu.vector_load %arg6[%get3A_380, %get3A_381] {strides = array<i32>} : memref<640x64xf32, #tpu.memory_space<vmem>>, vector<16xf32>,
        %mul3A_383 = arith.constant 8.000000e+00 : f32
        %mul3A_384 = vector.broadcast %mul3A_383 : f32 to vector<16xf32>
        %mul3A_385 = arith.mulf %get3A_382, %mul3A_384 : vector<16xf32>
        %swap3A_386 = arith.index_cast %add3A_361 : i32 to index
        %swap3A_387 = arith.constant 32 : index
        %swap3A_388 = tpu.vector_load %arg6[%swap3A_386, %swap3A_387] {strides = array<i32>} : memref<640x64xf32, #tpu.memory_space<vmem>>, vector<16xf32>,
        tpu.vector_store %arg6[%swap3A_386, %swap3A_387], %mul3A_385 {strides = array<i32>} : memref<640x64xf32, #tpu.memory_space<vmem>>, vector<16xf32>,
        %get3A_389 = arith.index_cast %add3A_361 : i32 to index
        %get3A_390 = arith.constant 48 : index
        %get3A_391 = tpu.vector_load %arg6[%get3A_389, %get3A_390] {strides = array<i32>} : memref<640x64xf32, #tpu.memory_space<vmem>>, vector<16xf32>,
        %mul3A_392 = arith.constant 8.000000e+00 : f32
        %mul3A_393 = vector.broadcast %mul3A_392 : f32 to vector<16xf32>
        %mul3A_394 = arith.mulf %get3A_391, %mul3A_393 : vector<16xf32>
        %swap3A_395 = arith.index_cast %add3A_361 : i32 to index
        %swap3A_396 = arith.constant 48 : index
        %swap3A_397 = tpu.vector_load %arg6[%swap3A_395, %swap3A_396] {strides = array<i32>} : memref<640x64xf32, #tpu.memory_space<vmem>>, vector<16xf32>,
        tpu.vector_store %arg6[%swap3A_395, %swap3A_396], %mul3A_394 {strides = array<i32>} : memref<640x64xf32, #tpu.memory_space<vmem>>, vector<16xf32>,
        %scan3A_398 = arith.constant 7 : i32
        %scan3A_399 = arith.addi %scan3A_107, %scan3A_398 : i32
        %mul3A_400 = arith.constant 1 : i32
        %mul3A_401 = arith.muli %scan3A_399, %mul3A_400 : i32
        %add3A_402 = arith.constant 0 : i32
        %add3A_403 = arith.addi %add3A_402, %mul3A_401 : i32
        %get3A_404 = arith.index_cast %add3A_403 : i32 to index
        %get3A_405 = arith.constant 0 : index
        %get3A_406 = tpu.vector_load %arg6[%get3A_404, %get3A_405] {strides = array<i32>} : memref<640x64xf32, #tpu.memory_space<vmem>>, vector<16xf32>,
        %mul3A_407 = arith.constant 8.000000e+00 : f32
        %mul3A_408 = vector.broadcast %mul3A_407 : f32 to vector<16xf32>
        %mul3A_409 = arith.mulf %get3A_406, %mul3A_408 : vector<16xf32>
        %swap3A_410 = arith.index_cast %add3A_403 : i32 to index
        %swap3A_411 = arith.constant 0 : index
        %swap3A_412 = tpu.vector_load %arg6[%swap3A_410, %swap3A_411] {strides = array<i32>} : memref<640x64xf32, #tpu.memory_space<vmem>>, vector<16xf32>,
        tpu.vector_store %arg6[%swap3A_410, %swap3A_411], %mul3A_409 {strides = array<i32>} : memref<640x64xf32, #tpu.memory_space<vmem>>, vector<16xf32>,
        %get3A_413 = arith.index_cast %add3A_403 : i32 to index
        %get3A_414 = arith.constant 16 : index
        %get3A_415 = tpu.vector_load %arg6[%get3A_413, %get3A_414] {strides = array<i32>} : memref<640x64xf32, #tpu.memory_space<vmem>>, vector<16xf32>,
        %mul3A_416 = arith.constant 8.000000e+00 : f32
        %mul3A_417 = vector.broadcast %mul3A_416 : f32 to vector<16xf32>
        %mul3A_418 = arith.mulf %get3A_415, %mul3A_417 : vector<16xf32>
        %swap3A_419 = arith.index_cast %add3A_403 : i32 to index
        %swap3A_420 = arith.constant 16 : index
        %swap3A_421 = tpu.vector_load %arg6[%swap3A_419, %swap3A_420] {strides = array<i32>} : memref<640x64xf32, #tpu.memory_space<vmem>>, vector<16xf32>,
        tpu.vector_store %arg6[%swap3A_419, %swap3A_420], %mul3A_418 {strides = array<i32>} : memref<640x64xf32, #tpu.memory_space<vmem>>, vector<16xf32>,
        %get3A_422 = arith.index_cast %add3A_403 : i32 to index
        %get3A_423 = arith.constant 32 : index
        %get3A_424 = tpu.vector_load %arg6[%get3A_422, %get3A_423] {strides = array<i32>} : memref<640x64xf32, #tpu.memory_space<vmem>>, vector<16xf32>,
        %mul3A_425 = arith.constant 8.000000e+00 : f32
        %mul3A_426 = vector.broadcast %mul3A_425 : f32 to vector<16xf32>
        %mul3A_427 = arith.mulf %get3A_424, %mul3A_426 : vector<16xf32>
        %swap3A_428 = arith.index_cast %add3A_403 : i32 to index
        %swap3A_429 = arith.constant 32 : index
        %swap3A_430 = tpu.vector_load %arg6[%swap3A_428, %swap3A_429] {strides = array<i32>} : memref<640x64xf32, #tpu.memory_space<vmem>>, vector<16xf32>,
        tpu.vector_store %arg6[%swap3A_428, %swap3A_429], %mul3A_427 {strides = array<i32>} : memref<640x64xf32, #tpu.memory_space<vmem>>, vector<16xf32>,
        %get3A_431 = arith.index_cast %add3A_403 : i32 to index
        %get3A_432 = arith.constant 48 : index
        %get3A_433 = tpu.vector_load %arg6[%get3A_431, %get3A_432] {strides = array<i32>} : memref<640x64xf32, #tpu.memory_space<vmem>>, vector<16xf32>,
        %mul3A_434 = arith.constant 8.000000e+00 : f32
        %mul3A_435 = vector.broadcast %mul3A_434 : f32 to vector<16xf32>
        %mul3A_436 = arith.mulf %get3A_433, %mul3A_435 : vector<16xf32>
        %swap3A_437 = arith.index_cast %add3A_403 : i32 to index
        %swap3A_438 = arith.constant 48 : index
        %swap3A_439 = tpu.vector_load %arg6[%swap3A_437, %swap3A_438] {strides = array<i32>} : memref<640x64xf32, #tpu.memory_space<vmem>>, vector<16xf32>,
        tpu.vector_store %arg6[%swap3A_437, %swap3A_438], %mul3A_436 {strides = array<i32>} : memref<640x64xf32, #tpu.memory_space<vmem>>, vector<16xf32>,
      }
      %scan3A_76 = arith.constant 640 : i32
      %mul3A_77 = arith.constant 5 : i32
      %mul3A_78 = arith.muli %add3A_62, %mul3A_77 : i32
      %add3A_79 = arith.addi %mul3A_2, %mul3A_78 : i32
      %mul3A_80 = arith.constant 128 : i32
      %mul3A_81 = arith.muli %add3A_79, %mul3A_80 : i32
      "tpu.region"() ({
        %run_scoped3A = tpu.sem_alloc : memref<!tpu.dma_semaphore, #tpu.memory_space<semaphore_mem>>
        %dma_start3A_107 = arith.constant 0 : i32
        %dma_start3A_108 = tpu.memref_slice %arg4[%mul3A_81, %dma_start3A_107] : memref<819200x128xf32, #tpu.memory_space<hbm>> -> memref<640x64xf32, #tpu.memory_space<hbm>>
        %dma_start3A_109 = arith.constant 0 : i32
        %dma_start3A_110 = tpu.memref_slice %arg4[%mul3A_81, %dma_start3A_109] : memref<819200x128xf32, #tpu.memory_space<hbm>> -> memref<640x64xf32, #tpu.memory_space<hbm>>
        tpu.enqueue_dma source(%arg6 : memref<640x64xf32, #tpu.memory_space<vmem>>) target(%dma_start3A_110 : memref<640x64xf32, #tpu.memory_space<hbm>>) target_semaphore(%run_scoped3A : memref<!tpu.dma_semaphore, #tpu.memory_space<semaphore_mem>>)
        %dma_wait3A_111 = arith.constant 0 : i32
        %dma_wait3A_112 = tpu.memref_slice %arg4[%mul3A_81, %dma_wait3A_111] : memref<819200x128xf32, #tpu.memory_space<hbm>> -> memref<640x64xf32, #tpu.memory_space<hbm>>
        %dma_wait3A_113 = arith.constant 0 : i32
        %dma_wait3A_114 = tpu.memref_slice %arg4[%mul3A_81, %dma_wait3A_113] : memref<819200x128xf32, #tpu.memory_space<hbm>> -> memref<640x64xf32, #tpu.memory_space<hbm>>
        tpu.wait_dma2 semaphore(%run_scoped3A : memref<!tpu.dma_semaphore, #tpu.memory_space<semaphore_mem>>) src(%arg6 : memref<640x64xf32, #tpu.memory_space<vmem>>) dst(%dma_wait3A_114 : memref<640x64xf32, #tpu.memory_space<hbm>>)
        tpu.yield
      }) : () -> ()
      %add3A_82 = arith.constant 1 : i32
      %add3A_83 = arith.addi %add3A_60, %add3A_82 : i32
      %add3A_84 = arith.constant 1 : i32
      %add3A_85 = arith.addi %add3A_83, %add3A_84 : i32
      %lt3A_86 = arith.constant 40 : i32
      %lt3A_87 = arith.cmpi slt, %add3A_85, %lt3A_86 : i32
      %convert_element_type3A_88 = arith.extui %lt3A_87 : i1 to i32
      %cond3A_89 = arith.constant 0 : i32
      %cond3A_90 = arith.cmpi ne, %convert_element_type3A_88, %cond3A_89 : i32
      scf.if %cond3A_90 {
        %add3A_107 = arith.constant 1 : i32
        %add3A_108 = arith.addi %add3A_83, %add3A_107 : i32
        %mul3A_109 = arith.constant 5 : i32
        %mul3A_110 = arith.muli %add3A_108, %mul3A_109 : i32
        %add3A_111 = arith.constant 0 : i32
        %add3A_112 = arith.addi %mul3A_110, %add3A_111 : i32
        %dma_start3A_113 = arith.constant 0 : i32
        %dma_start3A_114 = arith.constant 0 : i32
        %dma_start3A_115 = tpu.memref_slice %arg6[%dma_start3A_113, %dma_start3A_114] : memref<640x64xf32, #tpu.memory_space<vmem>> -> memref<128x64xf32, #tpu.memory_space<vmem>>
        %dma_start3A_116 = arith.constant 0 : i32
        %dma_start3A_117 = tpu.memref_slice %arg5[%add3A_112, %dma_start3A_116] : memref<200x128xi32, #tpu.memory_space<vmem>> -> memref<1x128xi32, #tpu.memory_space<vmem>>
        %dma_start3A_118 = tpu.memref_squeeze %dma_start3A_117 : memref<1x128xi32, #tpu.memory_space<vmem>> -> memref<128xi32, #tpu.memory_space<vmem>>
        %dma_start3A_119 = arith.constant 0 : i32
        %dma_start3A_120 = arith.constant 0 : i32
        %dma_start3A_121 = tpu.memref_slice %arg3[%dma_start3A_119, %dma_start3A_120] : memref<1000000x64xf32, #tpu.memory_space<hbm>> -> memref<1000000x64xf32, #tpu.memory_space<hbm>>
        tpu.enqueue_indirect_dma source(%dma_start3A_121 : memref<1000000x64xf32, #tpu.memory_space<hbm>>) target(%dma_start3A_115 : memref<128x64xf32, #tpu.memory_space<vmem>>) offsets(%dma_start3A_118 : memref<128xi32, #tpu.memory_space<vmem>>) semaphore(%arg8 : memref<!tpu.dma_semaphore, #tpu.memory_space<semaphore_mem>>)
        %mul3A_122 = arith.constant 5 : i32
        %mul3A_123 = arith.muli %add3A_108, %mul3A_122 : i32
        %add3A_124 = arith.constant 1 : i32
        %add3A_125 = arith.addi %mul3A_123, %add3A_124 : i32
        %dma_start3A_126 = arith.constant 128 : i32
        %dma_start3A_127 = arith.constant 0 : i32
        %dma_start3A_128 = tpu.memref_slice %arg6[%dma_start3A_126, %dma_start3A_127] : memref<640x64xf32, #tpu.memory_space<vmem>> -> memref<128x64xf32, #tpu.memory_space<vmem>>
        %dma_start3A_129 = arith.constant 0 : i32
        %dma_start3A_130 = tpu.memref_slice %arg5[%add3A_125, %dma_start3A_129] : memref<200x128xi32, #tpu.memory_space<vmem>> -> memref<1x128xi32, #tpu.memory_space<vmem>>
        %dma_start3A_131 = tpu.memref_squeeze %dma_start3A_130 : memref<1x128xi32, #tpu.memory_space<vmem>> -> memref<128xi32, #tpu.memory_space<vmem>>
        %dma_start3A_132 = arith.constant 0 : i32
        %dma_start3A_133 = arith.constant 0 : i32
        %dma_start3A_134 = tpu.memref_slice %arg3[%dma_start3A_132, %dma_start3A_133] : memref<1000000x64xf32, #tpu.memory_space<hbm>> -> memref<1000000x64xf32, #tpu.memory_space<hbm>>
        tpu.enqueue_indirect_dma source(%dma_start3A_134 : memref<1000000x64xf32, #tpu.memory_space<hbm>>) target(%dma_start3A_128 : memref<128x64xf32, #tpu.memory_space<vmem>>) offsets(%dma_start3A_131 : memref<128xi32, #tpu.memory_space<vmem>>) semaphore(%arg8 : memref<!tpu.dma_semaphore, #tpu.memory_space<semaphore_mem>>)
        %mul3A_135 = arith.constant 5 : i32
        %mul3A_136 = arith.muli %add3A_108, %mul3A_135 : i32
        %add3A_137 = arith.constant 2 : i32
        %add3A_138 = arith.addi %mul3A_136, %add3A_137 : i32
        %dma_start3A_139 = arith.constant 256 : i32
        %dma_start3A_140 = arith.constant 0 : i32
        %dma_start3A_141 = tpu.memref_slice %arg6[%dma_start3A_139, %dma_start3A_140] : memref<640x64xf32, #tpu.memory_space<vmem>> -> memref<128x64xf32, #tpu.memory_space<vmem>>
        %dma_start3A_142 = arith.constant 0 : i32
        %dma_start3A_143 = tpu.memref_slice %arg5[%add3A_138, %dma_start3A_142] : memref<200x128xi32, #tpu.memory_space<vmem>> -> memref<1x128xi32, #tpu.memory_space<vmem>>
        %dma_start3A_144 = tpu.memref_squeeze %dma_start3A_143 : memref<1x128xi32, #tpu.memory_space<vmem>> -> memref<128xi32, #tpu.memory_space<vmem>>
        %dma_start3A_145 = arith.constant 0 : i32
        %dma_start3A_146 = arith.constant 0 : i32
        %dma_start3A_147 = tpu.memref_slice %arg3[%dma_start3A_145, %dma_start3A_146] : memref<1000000x64xf32, #tpu.memory_space<hbm>> -> memref<1000000x64xf32, #tpu.memory_space<hbm>>
        tpu.enqueue_indirect_dma source(%dma_start3A_147 : memref<1000000x64xf32, #tpu.memory_space<hbm>>) target(%dma_start3A_141 : memref<128x64xf32, #tpu.memory_space<vmem>>) offsets(%dma_start3A_144 : memref<128xi32, #tpu.memory_space<vmem>>) semaphore(%arg8 : memref<!tpu.dma_semaphore, #tpu.memory_space<semaphore_mem>>)
        %mul3A_148 = arith.constant 5 : i32
        %mul3A_149 = arith.muli %add3A_108, %mul3A_148 : i32
        %add3A_150 = arith.constant 3 : i32
        %add3A_151 = arith.addi %mul3A_149, %add3A_150 : i32
        %dma_start3A_152 = arith.constant 384 : i32
        %dma_start3A_153 = arith.constant 0 : i32
        %dma_start3A_154 = tpu.memref_slice %arg6[%dma_start3A_152, %dma_start3A_153] : memref<640x64xf32, #tpu.memory_space<vmem>> -> memref<128x64xf32, #tpu.memory_space<vmem>>
        %dma_start3A_155 = arith.constant 0 : i32
        %dma_start3A_156 = tpu.memref_slice %arg5[%add3A_151, %dma_start3A_155] : memref<200x128xi32, #tpu.memory_space<vmem>> -> memref<1x128xi32, #tpu.memory_space<vmem>>
        %dma_start3A_157 = tpu.memref_squeeze %dma_start3A_156 : memref<1x128xi32, #tpu.memory_space<vmem>> -> memref<128xi32, #tpu.memory_space<vmem>>
        %dma_start3A_158 = arith.constant 0 : i32
        %dma_start3A_159 = arith.constant 0 : i32
        %dma_start3A_160 = tpu.memref_slice %arg3[%dma_start3A_158, %dma_start3A_159] : memref<1000000x64xf32, #tpu.memory_space<hbm>> -> memref<1000000x64xf32, #tpu.memory_space<hbm>>
        tpu.enqueue_indirect_dma source(%dma_start3A_160 : memref<1000000x64xf32, #tpu.memory_space<hbm>>) target(%dma_start3A_154 : memref<128x64xf32, #tpu.memory_space<vmem>>) offsets(%dma_start3A_157 : memref<128xi32, #tpu.memory_space<vmem>>) semaphore(%arg8 : memref<!tpu.dma_semaphore, #tpu.memory_space<semaphore_mem>>)
        %mul3A_161 = arith.constant 5 : i32
        %mul3A_162 = arith.muli %add3A_108, %mul3A_161 : i32
        %add3A_163 = arith.constant 4 : i32
        %add3A_164 = arith.addi %mul3A_162, %add3A_163 : i32
        %dma_start3A_165 = arith.constant 512 : i32
        %dma_start3A_166 = arith.constant 0 : i32
        %dma_start3A_167 = tpu.memref_slice %arg6[%dma_start3A_165, %dma_start3A_166] : memref<640x64xf32, #tpu.memory_space<vmem>> -> memref<128x64xf32, #tpu.memory_space<vmem>>
        %dma_start3A_168 = arith.constant 0 : i32
        %dma_start3A_169 = tpu.memref_slice %arg5[%add3A_164, %dma_start3A_168] : memref<200x128xi32, #tpu.memory_space<vmem>> -> memref<1x128xi32, #tpu.memory_space<vmem>>
        %dma_start3A_170 = tpu.memref_squeeze %dma_start3A_169 : memref<1x128xi32, #tpu.memory_space<vmem>> -> memref<128xi32, #tpu.memory_space<vmem>>
        %dma_start3A_171 = arith.constant 0 : i32
        %dma_start3A_172 = arith.constant 0 : i32
        %dma_start3A_173 = tpu.memref_slice %arg3[%dma_start3A_171, %dma_start3A_172] : memref<1000000x64xf32, #tpu.memory_space<hbm>> -> memref<1000000x64xf32, #tpu.memory_space<hbm>>
        tpu.enqueue_indirect_dma source(%dma_start3A_173 : memref<1000000x64xf32, #tpu.memory_space<hbm>>) target(%dma_start3A_167 : memref<128x64xf32, #tpu.memory_space<vmem>>) offsets(%dma_start3A_170 : memref<128xi32, #tpu.memory_space<vmem>>) semaphore(%arg8 : memref<!tpu.dma_semaphore, #tpu.memory_space<semaphore_mem>>)
      } else {
      }
      %dma_wait3A_91 = arith.constant 0 : i32
      %dma_wait3A_92 = arith.constant 0 : i32
      %dma_wait3A_93 = tpu.memref_slice %arg3[%dma_wait3A_91, %dma_wait3A_92] : memref<1000000x64xf32, #tpu.memory_space<hbm>> -> memref<640x64xf32, #tpu.memory_space<hbm>>
      %dma_wait3A_94 = arith.constant 0 : i32
      %dma_wait3A_95 = arith.constant 0 : i32
      %dma_wait3A_96 = tpu.memref_slice %arg3[%dma_wait3A_94, %dma_wait3A_95] : memref<1000000x64xf32, #tpu.memory_space<hbm>> -> memref<640x64xf32, #tpu.memory_space<hbm>>
      tpu.wait_dma2 semaphore(%arg9 : memref<!tpu.dma_semaphore, #tpu.memory_space<semaphore_mem>>) src(%dma_wait3A_96 : memref<640x64xf32, #tpu.memory_space<hbm>>) dst(%arg7 : memref<640x64xf32, #tpu.memory_space<vmem>>)
      %scan3A_97 = arith.constant 0 : i32
      %scan3A_98 = arith.constant 640 : i32
      %scan3A_99 = arith.addi %scan3A_97, %scan3A_98 : i32
      %scan3A_100 = arith.constant 8 : i32
      scf.for %scan3A_107 = %scan3A_97 to %scan3A_99 step %scan3A_100  : i32 {
        %mul3A_108 = arith.constant 1 : i32
        %mul3A_109 = arith.muli %scan3A_107, %mul3A_108 : i32
        %add3A_110 = arith.constant 0 : i32
        %add3A_111 = arith.addi %add3A_110, %mul3A_109 : i32
        %get3A = arith.index_cast %add3A_111 : i32 to index
        %get3A_112 = arith.constant 0 : index
        %get3A_113 = tpu.vector_load %arg7[%get3A, %get3A_112] {strides = array<i32>} : memref<640x64xf32, #tpu.memory_space<vmem>>, vector<16xf32>,
        %mul3A_114 = arith.constant 8.000000e+00 : f32
        %mul3A_115 = vector.broadcast %mul3A_114 : f32 to vector<16xf32>
        %mul3A_116 = arith.mulf %get3A_113, %mul3A_115 : vector<16xf32>
        %swap3A = arith.index_cast %add3A_111 : i32 to index
        %swap3A_117 = arith.constant 0 : index
        %swap3A_118 = tpu.vector_load %arg7[%swap3A, %swap3A_117] {strides = array<i32>} : memref<640x64xf32, #tpu.memory_space<vmem>>, vector<16xf32>,
        tpu.vector_store %arg7[%swap3A, %swap3A_117], %mul3A_116 {strides = array<i32>} : memref<640x64xf32, #tpu.memory_space<vmem>>, vector<16xf32>,
        %get3A_119 = arith.index_cast %add3A_111 : i32 to index
        %get3A_120 = arith.constant 16 : index
        %get3A_121 = tpu.vector_load %arg7[%get3A_119, %get3A_120] {strides = array<i32>} : memref<640x64xf32, #tpu.memory_space<vmem>>, vector<16xf32>,
        %mul3A_122 = arith.constant 8.000000e+00 : f32
        %mul3A_123 = vector.broadcast %mul3A_122 : f32 to vector<16xf32>
        %mul3A_124 = arith.mulf %get3A_121, %mul3A_123 : vector<16xf32>
        %swap3A_125 = arith.index_cast %add3A_111 : i32 to index
        %swap3A_126 = arith.constant 16 : index
        %swap3A_127 = tpu.vector_load %arg7[%swap3A_125, %swap3A_126] {strides = array<i32>} : memref<640x64xf32, #tpu.memory_space<vmem>>, vector<16xf32>,
        tpu.vector_store %arg7[%swap3A_125, %swap3A_126], %mul3A_124 {strides = array<i32>} : memref<640x64xf32, #tpu.memory_space<vmem>>, vector<16xf32>,
        %get3A_128 = arith.index_cast %add3A_111 : i32 to index
        %get3A_129 = arith.constant 32 : index
        %get3A_130 = tpu.vector_load %arg7[%get3A_128, %get3A_129] {strides = array<i32>} : memref<640x64xf32, #tpu.memory_space<vmem>>, vector<16xf32>,
        %mul3A_131 = arith.constant 8.000000e+00 : f32
        %mul3A_132 = vector.broadcast %mul3A_131 : f32 to vector<16xf32>
        %mul3A_133 = arith.mulf %get3A_130, %mul3A_132 : vector<16xf32>
        %swap3A_134 = arith.index_cast %add3A_111 : i32 to index
        %swap3A_135 = arith.constant 32 : index
        %swap3A_136 = tpu.vector_load %arg7[%swap3A_134, %swap3A_135] {strides = array<i32>} : memref<640x64xf32, #tpu.memory_space<vmem>>, vector<16xf32>,
        tpu.vector_store %arg7[%swap3A_134, %swap3A_135], %mul3A_133 {strides = array<i32>} : memref<640x64xf32, #tpu.memory_space<vmem>>, vector<16xf32>,
        %get3A_137 = arith.index_cast %add3A_111 : i32 to index
        %get3A_138 = arith.constant 48 : index
        %get3A_139 = tpu.vector_load %arg7[%get3A_137, %get3A_138] {strides = array<i32>} : memref<640x64xf32, #tpu.memory_space<vmem>>, vector<16xf32>,
        %mul3A_140 = arith.constant 8.000000e+00 : f32
        %mul3A_141 = vector.broadcast %mul3A_140 : f32 to vector<16xf32>
        %mul3A_142 = arith.mulf %get3A_139, %mul3A_141 : vector<16xf32>
        %swap3A_143 = arith.index_cast %add3A_111 : i32 to index
        %swap3A_144 = arith.constant 48 : index
        %swap3A_145 = tpu.vector_load %arg7[%swap3A_143, %swap3A_144] {strides = array<i32>} : memref<640x64xf32, #tpu.memory_space<vmem>>, vector<16xf32>,
        tpu.vector_store %arg7[%swap3A_143, %swap3A_144], %mul3A_142 {strides = array<i32>} : memref<640x64xf32, #tpu.memory_space<vmem>>, vector<16xf32>,
        %scan3A_146 = arith.constant 1 : i32
        %scan3A_147 = arith.addi %scan3A_107, %scan3A_146 : i32
        %mul3A_148 = arith.constant 1 : i32
        %mul3A_149 = arith.muli %scan3A_147, %mul3A_148 : i32
        %add3A_150 = arith.constant 0 : i32
        %add3A_151 = arith.addi %add3A_150, %mul3A_149 : i32
        %get3A_152 = arith.index_cast %add3A_151 : i32 to index
        %get3A_153 = arith.constant 0 : index
        %get3A_154 = tpu.vector_load %arg7[%get3A_152, %get3A_153] {strides = array<i32>} : memref<640x64xf32, #tpu.memory_space<vmem>>, vector<16xf32>,
        %mul3A_155 = arith.constant 8.000000e+00 : f32
        %mul3A_156 = vector.broadcast %mul3A_155 : f32 to vector<16xf32>
        %mul3A_157 = arith.mulf %get3A_154, %mul3A_156 : vector<16xf32>
        %swap3A_158 = arith.index_cast %add3A_151 : i32 to index
        %swap3A_159 = arith.constant 0 : index
        %swap3A_160 = tpu.vector_load %arg7[%swap3A_158, %swap3A_159] {strides = array<i32>} : memref<640x64xf32, #tpu.memory_space<vmem>>, vector<16xf32>,
        tpu.vector_store %arg7[%swap3A_158, %swap3A_159], %mul3A_157 {strides = array<i32>} : memref<640x64xf32, #tpu.memory_space<vmem>>, vector<16xf32>,
        %get3A_161 = arith.index_cast %add3A_151 : i32 to index
        %get3A_162 = arith.constant 16 : index
        %get3A_163 = tpu.vector_load %arg7[%get3A_161, %get3A_162] {strides = array<i32>} : memref<640x64xf32, #tpu.memory_space<vmem>>, vector<16xf32>,
        %mul3A_164 = arith.constant 8.000000e+00 : f32
        %mul3A_165 = vector.broadcast %mul3A_164 : f32 to vector<16xf32>
        %mul3A_166 = arith.mulf %get3A_163, %mul3A_165 : vector<16xf32>
        %swap3A_167 = arith.index_cast %add3A_151 : i32 to index
        %swap3A_168 = arith.constant 16 : index
        %swap3A_169 = tpu.vector_load %arg7[%swap3A_167, %swap3A_168] {strides = array<i32>} : memref<640x64xf32, #tpu.memory_space<vmem>>, vector<16xf32>,
        tpu.vector_store %arg7[%swap3A_167, %swap3A_168], %mul3A_166 {strides = array<i32>} : memref<640x64xf32, #tpu.memory_space<vmem>>, vector<16xf32>,
        %get3A_170 = arith.index_cast %add3A_151 : i32 to index
        %get3A_171 = arith.constant 32 : index
        %get3A_172 = tpu.vector_load %arg7[%get3A_170, %get3A_171] {strides = array<i32>} : memref<640x64xf32, #tpu.memory_space<vmem>>, vector<16xf32>,
        %mul3A_173 = arith.constant 8.000000e+00 : f32
        %mul3A_174 = vector.broadcast %mul3A_173 : f32 to vector<16xf32>
        %mul3A_175 = arith.mulf %get3A_172, %mul3A_174 : vector<16xf32>
        %swap3A_176 = arith.index_cast %add3A_151 : i32 to index
        %swap3A_177 = arith.constant 32 : index
        %swap3A_178 = tpu.vector_load %arg7[%swap3A_176, %swap3A_177] {strides = array<i32>} : memref<640x64xf32, #tpu.memory_space<vmem>>, vector<16xf32>,
        tpu.vector_store %arg7[%swap3A_176, %swap3A_177], %mul3A_175 {strides = array<i32>} : memref<640x64xf32, #tpu.memory_space<vmem>>, vector<16xf32>,
        %get3A_179 = arith.index_cast %add3A_151 : i32 to index
        %get3A_180 = arith.constant 48 : index
        %get3A_181 = tpu.vector_load %arg7[%get3A_179, %get3A_180] {strides = array<i32>} : memref<640x64xf32, #tpu.memory_space<vmem>>, vector<16xf32>,
        %mul3A_182 = arith.constant 8.000000e+00 : f32
        %mul3A_183 = vector.broadcast %mul3A_182 : f32 to vector<16xf32>
        %mul3A_184 = arith.mulf %get3A_181, %mul3A_183 : vector<16xf32>
        %swap3A_185 = arith.index_cast %add3A_151 : i32 to index
        %swap3A_186 = arith.constant 48 : index
        %swap3A_187 = tpu.vector_load %arg7[%swap3A_185, %swap3A_186] {strides = array<i32>} : memref<640x64xf32, #tpu.memory_space<vmem>>, vector<16xf32>,
        tpu.vector_store %arg7[%swap3A_185, %swap3A_186], %mul3A_184 {strides = array<i32>} : memref<640x64xf32, #tpu.memory_space<vmem>>, vector<16xf32>,
        %scan3A_188 = arith.constant 2 : i32
        %scan3A_189 = arith.addi %scan3A_107, %scan3A_188 : i32
        %mul3A_190 = arith.constant 1 : i32
        %mul3A_191 = arith.muli %scan3A_189, %mul3A_190 : i32
        %add3A_192 = arith.constant 0 : i32
        %add3A_193 = arith.addi %add3A_192, %mul3A_191 : i32
        %get3A_194 = arith.index_cast %add3A_193 : i32 to index
        %get3A_195 = arith.constant 0 : index
        %get3A_196 = tpu.vector_load %arg7[%get3A_194, %get3A_195] {strides = array<i32>} : memref<640x64xf32, #tpu.memory_space<vmem>>, vector<16xf32>,
        %mul3A_197 = arith.constant 8.000000e+00 : f32
        %mul3A_198 = vector.broadcast %mul3A_197 : f32 to vector<16xf32>
        %mul3A_199 = arith.mulf %get3A_196, %mul3A_198 : vector<16xf32>
        %swap3A_200 = arith.index_cast %add3A_193 : i32 to index
        %swap3A_201 = arith.constant 0 : index
        %swap3A_202 = tpu.vector_load %arg7[%swap3A_200, %swap3A_201] {strides = array<i32>} : memref<640x64xf32, #tpu.memory_space<vmem>>, vector<16xf32>,
        tpu.vector_store %arg7[%swap3A_200, %swap3A_201], %mul3A_199 {strides = array<i32>} : memref<640x64xf32, #tpu.memory_space<vmem>>, vector<16xf32>,
        %get3A_203 = arith.index_cast %add3A_193 : i32 to index
        %get3A_204 = arith.constant 16 : index
        %get3A_205 = tpu.vector_load %arg7[%get3A_203, %get3A_204] {strides = array<i32>} : memref<640x64xf32, #tpu.memory_space<vmem>>, vector<16xf32>,
        %mul3A_206 = arith.constant 8.000000e+00 : f32
        %mul3A_207 = vector.broadcast %mul3A_206 : f32 to vector<16xf32>
        %mul3A_208 = arith.mulf %get3A_205, %mul3A_207 : vector<16xf32>
        %swap3A_209 = arith.index_cast %add3A_193 : i32 to index
        %swap3A_210 = arith.constant 16 : index
        %swap3A_211 = tpu.vector_load %arg7[%swap3A_209, %swap3A_210] {strides = array<i32>} : memref<640x64xf32, #tpu.memory_space<vmem>>, vector<16xf32>,
        tpu.vector_store %arg7[%swap3A_209, %swap3A_210], %mul3A_208 {strides = array<i32>} : memref<640x64xf32, #tpu.memory_space<vmem>>, vector<16xf32>,
        %get3A_212 = arith.index_cast %add3A_193 : i32 to index
        %get3A_213 = arith.constant 32 : index
        %get3A_214 = tpu.vector_load %arg7[%get3A_212, %get3A_213] {strides = array<i32>} : memref<640x64xf32, #tpu.memory_space<vmem>>, vector<16xf32>,
        %mul3A_215 = arith.constant 8.000000e+00 : f32
        %mul3A_216 = vector.broadcast %mul3A_215 : f32 to vector<16xf32>
        %mul3A_217 = arith.mulf %get3A_214, %mul3A_216 : vector<16xf32>
        %swap3A_218 = arith.index_cast %add3A_193 : i32 to index
        %swap3A_219 = arith.constant 32 : index
        %swap3A_220 = tpu.vector_load %arg7[%swap3A_218, %swap3A_219] {strides = array<i32>} : memref<640x64xf32, #tpu.memory_space<vmem>>, vector<16xf32>,
        tpu.vector_store %arg7[%swap3A_218, %swap3A_219], %mul3A_217 {strides = array<i32>} : memref<640x64xf32, #tpu.memory_space<vmem>>, vector<16xf32>,
        %get3A_221 = arith.index_cast %add3A_193 : i32 to index
        %get3A_222 = arith.constant 48 : index
        %get3A_223 = tpu.vector_load %arg7[%get3A_221, %get3A_222] {strides = array<i32>} : memref<640x64xf32, #tpu.memory_space<vmem>>, vector<16xf32>,
        %mul3A_224 = arith.constant 8.000000e+00 : f32
        %mul3A_225 = vector.broadcast %mul3A_224 : f32 to vector<16xf32>
        %mul3A_226 = arith.mulf %get3A_223, %mul3A_225 : vector<16xf32>
        %swap3A_227 = arith.index_cast %add3A_193 : i32 to index
        %swap3A_228 = arith.constant 48 : index
        %swap3A_229 = tpu.vector_load %arg7[%swap3A_227, %swap3A_228] {strides = array<i32>} : memref<640x64xf32, #tpu.memory_space<vmem>>, vector<16xf32>,
        tpu.vector_store %arg7[%swap3A_227, %swap3A_228], %mul3A_226 {strides = array<i32>} : memref<640x64xf32, #tpu.memory_space<vmem>>, vector<16xf32>,
        %scan3A_230 = arith.constant 3 : i32
        %scan3A_231 = arith.addi %scan3A_107, %scan3A_230 : i32
        %mul3A_232 = arith.constant 1 : i32
        %mul3A_233 = arith.muli %scan3A_231, %mul3A_232 : i32
        %add3A_234 = arith.constant 0 : i32
        %add3A_235 = arith.addi %add3A_234, %mul3A_233 : i32
        %get3A_236 = arith.index_cast %add3A_235 : i32 to index
        %get3A_237 = arith.constant 0 : index
        %get3A_238 = tpu.vector_load %arg7[%get3A_236, %get3A_237] {strides = array<i32>} : memref<640x64xf32, #tpu.memory_space<vmem>>, vector<16xf32>,
        %mul3A_239 = arith.constant 8.000000e+00 : f32
        %mul3A_240 = vector.broadcast %mul3A_239 : f32 to vector<16xf32>
        %mul3A_241 = arith.mulf %get3A_238, %mul3A_240 : vector<16xf32>
        %swap3A_242 = arith.index_cast %add3A_235 : i32 to index
        %swap3A_243 = arith.constant 0 : index
        %swap3A_244 = tpu.vector_load %arg7[%swap3A_242, %swap3A_243] {strides = array<i32>} : memref<640x64xf32, #tpu.memory_space<vmem>>, vector<16xf32>,
        tpu.vector_store %arg7[%swap3A_242, %swap3A_243], %mul3A_241 {strides = array<i32>} : memref<640x64xf32, #tpu.memory_space<vmem>>, vector<16xf32>,
        %get3A_245 = arith.index_cast %add3A_235 : i32 to index
        %get3A_246 = arith.constant 16 : index
        %get3A_247 = tpu.vector_load %arg7[%get3A_245, %get3A_246] {strides = array<i32>} : memref<640x64xf32, #tpu.memory_space<vmem>>, vector<16xf32>,
        %mul3A_248 = arith.constant 8.000000e+00 : f32
        %mul3A_249 = vector.broadcast %mul3A_248 : f32 to vector<16xf32>
        %mul3A_250 = arith.mulf %get3A_247, %mul3A_249 : vector<16xf32>
        %swap3A_251 = arith.index_cast %add3A_235 : i32 to index
        %swap3A_252 = arith.constant 16 : index
        %swap3A_253 = tpu.vector_load %arg7[%swap3A_251, %swap3A_252] {strides = array<i32>} : memref<640x64xf32, #tpu.memory_space<vmem>>, vector<16xf32>,
        tpu.vector_store %arg7[%swap3A_251, %swap3A_252], %mul3A_250 {strides = array<i32>} : memref<640x64xf32, #tpu.memory_space<vmem>>, vector<16xf32>,
        %get3A_254 = arith.index_cast %add3A_235 : i32 to index
        %get3A_255 = arith.constant 32 : index
        %get3A_256 = tpu.vector_load %arg7[%get3A_254, %get3A_255] {strides = array<i32>} : memref<640x64xf32, #tpu.memory_space<vmem>>, vector<16xf32>,
        %mul3A_257 = arith.constant 8.000000e+00 : f32
        %mul3A_258 = vector.broadcast %mul3A_257 : f32 to vector<16xf32>
        %mul3A_259 = arith.mulf %get3A_256, %mul3A_258 : vector<16xf32>
        %swap3A_260 = arith.index_cast %add3A_235 : i32 to index
        %swap3A_261 = arith.constant 32 : index
        %swap3A_262 = tpu.vector_load %arg7[%swap3A_260, %swap3A_261] {strides = array<i32>} : memref<640x64xf32, #tpu.memory_space<vmem>>, vector<16xf32>,
        tpu.vector_store %arg7[%swap3A_260, %swap3A_261], %mul3A_259 {strides = array<i32>} : memref<640x64xf32, #tpu.memory_space<vmem>>, vector<16xf32>,
        %get3A_263 = arith.index_cast %add3A_235 : i32 to index
        %get3A_264 = arith.constant 48 : index
        %get3A_265 = tpu.vector_load %arg7[%get3A_263, %get3A_264] {strides = array<i32>} : memref<640x64xf32, #tpu.memory_space<vmem>>, vector<16xf32>,
        %mul3A_266 = arith.constant 8.000000e+00 : f32
        %mul3A_267 = vector.broadcast %mul3A_266 : f32 to vector<16xf32>
        %mul3A_268 = arith.mulf %get3A_265, %mul3A_267 : vector<16xf32>
        %swap3A_269 = arith.index_cast %add3A_235 : i32 to index
        %swap3A_270 = arith.constant 48 : index
        %swap3A_271 = tpu.vector_load %arg7[%swap3A_269, %swap3A_270] {strides = array<i32>} : memref<640x64xf32, #tpu.memory_space<vmem>>, vector<16xf32>,
        tpu.vector_store %arg7[%swap3A_269, %swap3A_270], %mul3A_268 {strides = array<i32>} : memref<640x64xf32, #tpu.memory_space<vmem>>, vector<16xf32>,
        %scan3A_272 = arith.constant 4 : i32
        %scan3A_273 = arith.addi %scan3A_107, %scan3A_272 : i32
        %mul3A_274 = arith.constant 1 : i32
        %mul3A_275 = arith.muli %scan3A_273, %mul3A_274 : i32
        %add3A_276 = arith.constant 0 : i32
        %add3A_277 = arith.addi %add3A_276, %mul3A_275 : i32
        %get3A_278 = arith.index_cast %add3A_277 : i32 to index
        %get3A_279 = arith.constant 0 : index
        %get3A_280 = tpu.vector_load %arg7[%get3A_278, %get3A_279] {strides = array<i32>} : memref<640x64xf32, #tpu.memory_space<vmem>>, vector<16xf32>,
        %mul3A_281 = arith.constant 8.000000e+00 : f32
        %mul3A_282 = vector.broadcast %mul3A_281 : f32 to vector<16xf32>
        %mul3A_283 = arith.mulf %get3A_280, %mul3A_282 : vector<16xf32>
        %swap3A_284 = arith.index_cast %add3A_277 : i32 to index
        %swap3A_285 = arith.constant 0 : index
        %swap3A_286 = tpu.vector_load %arg7[%swap3A_284, %swap3A_285] {strides = array<i32>} : memref<640x64xf32, #tpu.memory_space<vmem>>, vector<16xf32>,
        tpu.vector_store %arg7[%swap3A_284, %swap3A_285], %mul3A_283 {strides = array<i32>} : memref<640x64xf32, #tpu.memory_space<vmem>>, vector<16xf32>,
        %get3A_287 = arith.index_cast %add3A_277 : i32 to index
        %get3A_288 = arith.constant 16 : index
        %get3A_289 = tpu.vector_load %arg7[%get3A_287, %get3A_288] {strides = array<i32>} : memref<640x64xf32, #tpu.memory_space<vmem>>, vector<16xf32>,
        %mul3A_290 = arith.constant 8.000000e+00 : f32
        %mul3A_291 = vector.broadcast %mul3A_290 : f32 to vector<16xf32>
        %mul3A_292 = arith.mulf %get3A_289, %mul3A_291 : vector<16xf32>
        %swap3A_293 = arith.index_cast %add3A_277 : i32 to index
        %swap3A_294 = arith.constant 16 : index
        %swap3A_295 = tpu.vector_load %arg7[%swap3A_293, %swap3A_294] {strides = array<i32>} : memref<640x64xf32, #tpu.memory_space<vmem>>, vector<16xf32>,
        tpu.vector_store %arg7[%swap3A_293, %swap3A_294], %mul3A_292 {strides = array<i32>} : memref<640x64xf32, #tpu.memory_space<vmem>>, vector<16xf32>,
        %get3A_296 = arith.index_cast %add3A_277 : i32 to index
        %get3A_297 = arith.constant 32 : index
        %get3A_298 = tpu.vector_load %arg7[%get3A_296, %get3A_297] {strides = array<i32>} : memref<640x64xf32, #tpu.memory_space<vmem>>, vector<16xf32>,
        %mul3A_299 = arith.constant 8.000000e+00 : f32
        %mul3A_300 = vector.broadcast %mul3A_299 : f32 to vector<16xf32>
        %mul3A_301 = arith.mulf %get3A_298, %mul3A_300 : vector<16xf32>
        %swap3A_302 = arith.index_cast %add3A_277 : i32 to index
        %swap3A_303 = arith.constant 32 : index
        %swap3A_304 = tpu.vector_load %arg7[%swap3A_302, %swap3A_303] {strides = array<i32>} : memref<640x64xf32, #tpu.memory_space<vmem>>, vector<16xf32>,
        tpu.vector_store %arg7[%swap3A_302, %swap3A_303], %mul3A_301 {strides = array<i32>} : memref<640x64xf32, #tpu.memory_space<vmem>>, vector<16xf32>,
        %get3A_305 = arith.index_cast %add3A_277 : i32 to index
        %get3A_306 = arith.constant 48 : index
        %get3A_307 = tpu.vector_load %arg7[%get3A_305, %get3A_306] {strides = array<i32>} : memref<640x64xf32, #tpu.memory_space<vmem>>, vector<16xf32>,
        %mul3A_308 = arith.constant 8.000000e+00 : f32
        %mul3A_309 = vector.broadcast %mul3A_308 : f32 to vector<16xf32>
        %mul3A_310 = arith.mulf %get3A_307, %mul3A_309 : vector<16xf32>
        %swap3A_311 = arith.index_cast %add3A_277 : i32 to index
        %swap3A_312 = arith.constant 48 : index
        %swap3A_313 = tpu.vector_load %arg7[%swap3A_311, %swap3A_312] {strides = array<i32>} : memref<640x64xf32, #tpu.memory_space<vmem>>, vector<16xf32>,
        tpu.vector_store %arg7[%swap3A_311, %swap3A_312], %mul3A_310 {strides = array<i32>} : memref<640x64xf32, #tpu.memory_space<vmem>>, vector<16xf32>,
        %scan3A_314 = arith.constant 5 : i32
        %scan3A_315 = arith.addi %scan3A_107, %scan3A_314 : i32
        %mul3A_316 = arith.constant 1 : i32
        %mul3A_317 = arith.muli %scan3A_315, %mul3A_316 : i32
        %add3A_318 = arith.constant 0 : i32
        %add3A_319 = arith.addi %add3A_318, %mul3A_317 : i32
        %get3A_320 = arith.index_cast %add3A_319 : i32 to index
        %get3A_321 = arith.constant 0 : index
        %get3A_322 = tpu.vector_load %arg7[%get3A_320, %get3A_321] {strides = array<i32>} : memref<640x64xf32, #tpu.memory_space<vmem>>, vector<16xf32>,
        %mul3A_323 = arith.constant 8.000000e+00 : f32
        %mul3A_324 = vector.broadcast %mul3A_323 : f32 to vector<16xf32>
        %mul3A_325 = arith.mulf %get3A_322, %mul3A_324 : vector<16xf32>
        %swap3A_326 = arith.index_cast %add3A_319 : i32 to index
        %swap3A_327 = arith.constant 0 : index
        %swap3A_328 = tpu.vector_load %arg7[%swap3A_326, %swap3A_327] {strides = array<i32>} : memref<640x64xf32, #tpu.memory_space<vmem>>, vector<16xf32>,
        tpu.vector_store %arg7[%swap3A_326, %swap3A_327], %mul3A_325 {strides = array<i32>} : memref<640x64xf32, #tpu.memory_space<vmem>>, vector<16xf32>,
        %get3A_329 = arith.index_cast %add3A_319 : i32 to index
        %get3A_330 = arith.constant 16 : index
        %get3A_331 = tpu.vector_load %arg7[%get3A_329, %get3A_330] {strides = array<i32>} : memref<640x64xf32, #tpu.memory_space<vmem>>, vector<16xf32>,
        %mul3A_332 = arith.constant 8.000000e+00 : f32
        %mul3A_333 = vector.broadcast %mul3A_332 : f32 to vector<16xf32>
        %mul3A_334 = arith.mulf %get3A_331, %mul3A_333 : vector<16xf32>
        %swap3A_335 = arith.index_cast %add3A_319 : i32 to index
        %swap3A_336 = arith.constant 16 : index
        %swap3A_337 = tpu.vector_load %arg7[%swap3A_335, %swap3A_336] {strides = array<i32>} : memref<640x64xf32, #tpu.memory_space<vmem>>, vector<16xf32>,
        tpu.vector_store %arg7[%swap3A_335, %swap3A_336], %mul3A_334 {strides = array<i32>} : memref<640x64xf32, #tpu.memory_space<vmem>>, vector<16xf32>,
        %get3A_338 = arith.index_cast %add3A_319 : i32 to index
        %get3A_339 = arith.constant 32 : index
        %get3A_340 = tpu.vector_load %arg7[%get3A_338, %get3A_339] {strides = array<i32>} : memref<640x64xf32, #tpu.memory_space<vmem>>, vector<16xf32>,
        %mul3A_341 = arith.constant 8.000000e+00 : f32
        %mul3A_342 = vector.broadcast %mul3A_341 : f32 to vector<16xf32>
        %mul3A_343 = arith.mulf %get3A_340, %mul3A_342 : vector<16xf32>
        %swap3A_344 = arith.index_cast %add3A_319 : i32 to index
        %swap3A_345 = arith.constant 32 : index
        %swap3A_346 = tpu.vector_load %arg7[%swap3A_344, %swap3A_345] {strides = array<i32>} : memref<640x64xf32, #tpu.memory_space<vmem>>, vector<16xf32>,
        tpu.vector_store %arg7[%swap3A_344, %swap3A_345], %mul3A_343 {strides = array<i32>} : memref<640x64xf32, #tpu.memory_space<vmem>>, vector<16xf32>,
        %get3A_347 = arith.index_cast %add3A_319 : i32 to index
        %get3A_348 = arith.constant 48 : index
        %get3A_349 = tpu.vector_load %arg7[%get3A_347, %get3A_348] {strides = array<i32>} : memref<640x64xf32, #tpu.memory_space<vmem>>, vector<16xf32>,
        %mul3A_350 = arith.constant 8.000000e+00 : f32
        %mul3A_351 = vector.broadcast %mul3A_350 : f32 to vector<16xf32>
        %mul3A_352 = arith.mulf %get3A_349, %mul3A_351 : vector<16xf32>
        %swap3A_353 = arith.index_cast %add3A_319 : i32 to index
        %swap3A_354 = arith.constant 48 : index
        %swap3A_355 = tpu.vector_load %arg7[%swap3A_353, %swap3A_354] {strides = array<i32>} : memref<640x64xf32, #tpu.memory_space<vmem>>, vector<16xf32>,
        tpu.vector_store %arg7[%swap3A_353, %swap3A_354], %mul3A_352 {strides = array<i32>} : memref<640x64xf32, #tpu.memory_space<vmem>>, vector<16xf32>,
        %scan3A_356 = arith.constant 6 : i32
        %scan3A_357 = arith.addi %scan3A_107, %scan3A_356 : i32
        %mul3A_358 = arith.constant 1 : i32
        %mul3A_359 = arith.muli %scan3A_357, %mul3A_358 : i32
        %add3A_360 = arith.constant 0 : i32
        %add3A_361 = arith.addi %add3A_360, %mul3A_359 : i32
        %get3A_362 = arith.index_cast %add3A_361 : i32 to index
        %get3A_363 = arith.constant 0 : index
        %get3A_364 = tpu.vector_load %arg7[%get3A_362, %get3A_363] {strides = array<i32>} : memref<640x64xf32, #tpu.memory_space<vmem>>, vector<16xf32>,
        %mul3A_365 = arith.constant 8.000000e+00 : f32
        %mul3A_366 = vector.broadcast %mul3A_365 : f32 to vector<16xf32>
        %mul3A_367 = arith.mulf %get3A_364, %mul3A_366 : vector<16xf32>
        %swap3A_368 = arith.index_cast %add3A_361 : i32 to index
        %swap3A_369 = arith.constant 0 : index
        %swap3A_370 = tpu.vector_load %arg7[%swap3A_368, %swap3A_369] {strides = array<i32>} : memref<640x64xf32, #tpu.memory_space<vmem>>, vector<16xf32>,
        tpu.vector_store %arg7[%swap3A_368, %swap3A_369], %mul3A_367 {strides = array<i32>} : memref<640x64xf32, #tpu.memory_space<vmem>>, vector<16xf32>,
        %get3A_371 = arith.index_cast %add3A_361 : i32 to index
        %get3A_372 = arith.constant 16 : index
        %get3A_373 = tpu.vector_load %arg7[%get3A_371, %get3A_372] {strides = array<i32>} : memref<640x64xf32, #tpu.memory_space<vmem>>, vector<16xf32>,
        %mul3A_374 = arith.constant 8.000000e+00 : f32
        %mul3A_375 = vector.broadcast %mul3A_374 : f32 to vector<16xf32>
        %mul3A_376 = arith.mulf %get3A_373, %mul3A_375 : vector<16xf32>
        %swap3A_377 = arith.index_cast %add3A_361 : i32 to index
        %swap3A_378 = arith.constant 16 : index
        %swap3A_379 = tpu.vector_load %arg7[%swap3A_377, %swap3A_378] {strides = array<i32>} : memref<640x64xf32, #tpu.memory_space<vmem>>, vector<16xf32>,
        tpu.vector_store %arg7[%swap3A_377, %swap3A_378], %mul3A_376 {strides = array<i32>} : memref<640x64xf32, #tpu.memory_space<vmem>>, vector<16xf32>,
        %get3A_380 = arith.index_cast %add3A_361 : i32 to index
        %get3A_381 = arith.constant 32 : index
        %get3A_382 = tpu.vector_load %arg7[%get3A_380, %get3A_381] {strides = array<i32>} : memref<640x64xf32, #tpu.memory_space<vmem>>, vector<16xf32>,
        %mul3A_383 = arith.constant 8.000000e+00 : f32
        %mul3A_384 = vector.broadcast %mul3A_383 : f32 to vector<16xf32>
        %mul3A_385 = arith.mulf %get3A_382, %mul3A_384 : vector<16xf32>
        %swap3A_386 = arith.index_cast %add3A_361 : i32 to index
        %swap3A_387 = arith.constant 32 : index
        %swap3A_388 = tpu.vector_load %arg7[%swap3A_386, %swap3A_387] {strides = array<i32>} : memref<640x64xf32, #tpu.memory_space<vmem>>, vector<16xf32>,
        tpu.vector_store %arg7[%swap3A_386, %swap3A_387], %mul3A_385 {strides = array<i32>} : memref<640x64xf32, #tpu.memory_space<vmem>>, vector<16xf32>,
        %get3A_389 = arith.index_cast %add3A_361 : i32 to index
        %get3A_390 = arith.constant 48 : index
        %get3A_391 = tpu.vector_load %arg7[%get3A_389, %get3A_390] {strides = array<i32>} : memref<640x64xf32, #tpu.memory_space<vmem>>, vector<16xf32>,
        %mul3A_392 = arith.constant 8.000000e+00 : f32
        %mul3A_393 = vector.broadcast %mul3A_392 : f32 to vector<16xf32>
        %mul3A_394 = arith.mulf %get3A_391, %mul3A_393 : vector<16xf32>
        %swap3A_395 = arith.index_cast %add3A_361 : i32 to index
        %swap3A_396 = arith.constant 48 : index
        %swap3A_397 = tpu.vector_load %arg7[%swap3A_395, %swap3A_396] {strides = array<i32>} : memref<640x64xf32, #tpu.memory_space<vmem>>, vector<16xf32>,
        tpu.vector_store %arg7[%swap3A_395, %swap3A_396], %mul3A_394 {strides = array<i32>} : memref<640x64xf32, #tpu.memory_space<vmem>>, vector<16xf32>,
        %scan3A_398 = arith.constant 7 : i32
        %scan3A_399 = arith.addi %scan3A_107, %scan3A_398 : i32
        %mul3A_400 = arith.constant 1 : i32
        %mul3A_401 = arith.muli %scan3A_399, %mul3A_400 : i32
        %add3A_402 = arith.constant 0 : i32
        %add3A_403 = arith.addi %add3A_402, %mul3A_401 : i32
        %get3A_404 = arith.index_cast %add3A_403 : i32 to index
        %get3A_405 = arith.constant 0 : index
        %get3A_406 = tpu.vector_load %arg7[%get3A_404, %get3A_405] {strides = array<i32>} : memref<640x64xf32, #tpu.memory_space<vmem>>, vector<16xf32>,
        %mul3A_407 = arith.constant 8.000000e+00 : f32
        %mul3A_408 = vector.broadcast %mul3A_407 : f32 to vector<16xf32>
        %mul3A_409 = arith.mulf %get3A_406, %mul3A_408 : vector<16xf32>
        %swap3A_410 = arith.index_cast %add3A_403 : i32 to index
        %swap3A_411 = arith.constant 0 : index
        %swap3A_412 = tpu.vector_load %arg7[%swap3A_410, %swap3A_411] {strides = array<i32>} : memref<640x64xf32, #tpu.memory_space<vmem>>, vector<16xf32>,
        tpu.vector_store %arg7[%swap3A_410, %swap3A_411], %mul3A_409 {strides = array<i32>} : memref<640x64xf32, #tpu.memory_space<vmem>>, vector<16xf32>,
        %get3A_413 = arith.index_cast %add3A_403 : i32 to index
        %get3A_414 = arith.constant 16 : index
        %get3A_415 = tpu.vector_load %arg7[%get3A_413, %get3A_414] {strides = array<i32>} : memref<640x64xf32, #tpu.memory_space<vmem>>, vector<16xf32>,
        %mul3A_416 = arith.constant 8.000000e+00 : f32
        %mul3A_417 = vector.broadcast %mul3A_416 : f32 to vector<16xf32>
        %mul3A_418 = arith.mulf %get3A_415, %mul3A_417 : vector<16xf32>
        %swap3A_419 = arith.index_cast %add3A_403 : i32 to index
        %swap3A_420 = arith.constant 16 : index
        %swap3A_421 = tpu.vector_load %arg7[%swap3A_419, %swap3A_420] {strides = array<i32>} : memref<640x64xf32, #tpu.memory_space<vmem>>, vector<16xf32>,
        tpu.vector_store %arg7[%swap3A_419, %swap3A_420], %mul3A_418 {strides = array<i32>} : memref<640x64xf32, #tpu.memory_space<vmem>>, vector<16xf32>,
        %get3A_422 = arith.index_cast %add3A_403 : i32 to index
        %get3A_423 = arith.constant 32 : index
        %get3A_424 = tpu.vector_load %arg7[%get3A_422, %get3A_423] {strides = array<i32>} : memref<640x64xf32, #tpu.memory_space<vmem>>, vector<16xf32>,
        %mul3A_425 = arith.constant 8.000000e+00 : f32
        %mul3A_426 = vector.broadcast %mul3A_425 : f32 to vector<16xf32>
        %mul3A_427 = arith.mulf %get3A_424, %mul3A_426 : vector<16xf32>
        %swap3A_428 = arith.index_cast %add3A_403 : i32 to index
        %swap3A_429 = arith.constant 32 : index
        %swap3A_430 = tpu.vector_load %arg7[%swap3A_428, %swap3A_429] {strides = array<i32>} : memref<640x64xf32, #tpu.memory_space<vmem>>, vector<16xf32>,
        tpu.vector_store %arg7[%swap3A_428, %swap3A_429], %mul3A_427 {strides = array<i32>} : memref<640x64xf32, #tpu.memory_space<vmem>>, vector<16xf32>,
        %get3A_431 = arith.index_cast %add3A_403 : i32 to index
        %get3A_432 = arith.constant 48 : index
        %get3A_433 = tpu.vector_load %arg7[%get3A_431, %get3A_432] {strides = array<i32>} : memref<640x64xf32, #tpu.memory_space<vmem>>, vector<16xf32>,
        %mul3A_434 = arith.constant 8.000000e+00 : f32
        %mul3A_435 = vector.broadcast %mul3A_434 : f32 to vector<16xf32>
        %mul3A_436 = arith.mulf %get3A_433, %mul3A_435 : vector<16xf32>
        %swap3A_437 = arith.index_cast %add3A_403 : i32 to index
        %swap3A_438 = arith.constant 48 : index
        %swap3A_439 = tpu.vector_load %arg7[%swap3A_437, %swap3A_438] {strides = array<i32>} : memref<640x64xf32, #tpu.memory_space<vmem>>, vector<16xf32>,
        tpu.vector_store %arg7[%swap3A_437, %swap3A_438], %mul3A_436 {strides = array<i32>} : memref<640x64xf32, #tpu.memory_space<vmem>>, vector<16xf32>,
      }
      %scan3A_101 = arith.constant 640 : i32
      %mul3A_102 = arith.constant 5 : i32
      %mul3A_103 = arith.muli %add3A_83, %mul3A_102 : i32
      %add3A_104 = arith.addi %mul3A_2, %mul3A_103 : i32
      %mul3A_105 = arith.constant 128 : i32
      %mul3A_106 = arith.muli %add3A_104, %mul3A_105 : i32
      "tpu.region"() ({
        %run_scoped3A = tpu.sem_alloc : memref<!tpu.dma_semaphore, #tpu.memory_space<semaphore_mem>>
        %dma_start3A_107 = arith.constant 0 : i32
        %dma_start3A_108 = tpu.memref_slice %arg4[%mul3A_106, %dma_start3A_107] : memref<819200x128xf32, #tpu.memory_space<hbm>> -> memref<640x64xf32, #tpu.memory_space<hbm>>
        %dma_start3A_109 = arith.constant 0 : i32
        %dma_start3A_110 = tpu.memref_slice %arg4[%mul3A_106, %dma_start3A_109] : memref<819200x128xf32, #tpu.memory_space<hbm>> -> memref<640x64xf32, #tpu.memory_space<hbm>>
        tpu.enqueue_dma source(%arg7 : memref<640x64xf32, #tpu.memory_space<vmem>>) target(%dma_start3A_110 : memref<640x64xf32, #tpu.memory_space<hbm>>) target_semaphore(%run_scoped3A : memref<!tpu.dma_semaphore, #tpu.memory_space<semaphore_mem>>)
        %dma_wait3A_111 = arith.constant 0 : i32
        %dma_wait3A_112 = tpu.memref_slice %arg4[%mul3A_106, %dma_wait3A_111] : memref<819200x128xf32, #tpu.memory_space<hbm>> -> memref<640x64xf32, #tpu.memory_space<hbm>>
        %dma_wait3A_113 = arith.constant 0 : i32
        %dma_wait3A_114 = tpu.memref_slice %arg4[%mul3A_106, %dma_wait3A_113] : memref<819200x128xf32, #tpu.memory_space<hbm>> -> memref<640x64xf32, #tpu.memory_space<hbm>>
        tpu.wait_dma2 semaphore(%run_scoped3A : memref<!tpu.dma_semaphore, #tpu.memory_space<semaphore_mem>>) src(%arg7 : memref<640x64xf32, #tpu.memory_space<vmem>>) dst(%dma_wait3A_114 : memref<640x64xf32, #tpu.memory_space<hbm>>)
        tpu.yield
      }) : () -> ()
    }
    %scan3A_55 = arith.constant 20 : i32
    return
  }
}

</mosaic_0001>

<sc_bundles>
// kernel: _emb.3.cloned.1.call-start
scs
__scs_entry_jumppad:
0x0: {  	(pc) =	sbr.rel $0x88, $3  }
0x1: {  	(tag) =	ssettag $0x0;
	lr =	simm.s32 $0x1  }
0x2: {  	[smem:$0x3F9F] =	sst lr;
	_ =	strace $0xD0000000  }
0x3: {  	_ = 	snop  }
0x4: {  	_ = 	snop  }
0x5: {  	_ = 	snop  }
0x6: {  	_ = 	snop  }
0x7: {  	_ = 	snop  }
__scs_overlays_trampoline_lowered:
0x8: {  	[smem:$0x3FAE] =	sst s0  }
0x9: {  	[smem:$0x3FAF] =	sst s1  }
0xa: {  	[smem:$0x3FB0] =	sst s2  }
0xb: {  	[smem:$0x3FB1] =	sst s3  }
0xc: {  	[smem:$0x3FB2] =	sst s4  }
0xd: {  	[smem:$0x3FB3] =	sst s5  }
0xe: {  	[smem:$0x3FB4] =	sst s6  }
0xf: {  	[smem:$0x3FB5] =	sst s7  }
0x10: {  	[smem:$0x3FB6] =	sst s8  }
0x11: {  	[smem:$0x3FB7] =	sst s9;
	s0 =	simm.s32 @!p0 $0x0  }
0x12: {  	s1 =	sld [smem:$0x3F9D];
	s0 =	simm.s32 @p0 $0x1  }
0x13: {  	[smem:$0x3FB8] =	sst s0;
	s0 =	simm.s32 @!p1 $0x0  }
0x14: {  	s2 =	sld [smem:$0x3F9C];
	s0 =	simm.s32 @p1 $0x1  }
0x15: {  	[smem:$0x3FB9] =	sst s0;
	s0 =	simm.s32 @!p2 $0x0  }
0x16: {  	s3 =	sld [smem:$0x3FDB];
	s0 =	simm.s32 @p2 $0x1  }
0x17: {  	s4 =	simm.s32 $0x1BF5;
	[smem:$0x3FBB] =	sst s0  }
0x18: {  	s0 =	sld [smem:$0x3F9E];
	_ =	swait.ge [sflag:s4], $0x0  }
0x19: {  	s7 =	sld [smem:$0x3F9F]  }
0x1a: {  	s8 =	sadd.s32 $0xFFFFE003, lr  }
0x1b: {  	s9 =	sadd.s32 $0xFFFFFEF7, lr;
	s5 =	simm.s32 $0xFFFFFFFF;
	p2 =	slt.u32 s8, $0xFFFFF086  }
0x1c: {  	p1 =	slt.u32 s9, $0xF7A;
	s5 =	simm.s32 @!p2 $0x0  }
0x1d: {  	s5 =	simm.s32 @p1 $0x1;
	p0 =	seq.s32 s7, s2  }
0x1e: {  	s7 =	smul.u32 @!p0 $0xF7A, s2;
	p2 =	seq.s32 @!p0 s5, $0x0  }
0x1f: {  	s9 =	smul.u32 $0xF7A, s1;
	s8 =	simm.s32 @!p0 $0x1BF5;
	p2 =	por !p2, p0  }
0x20: {  	[sflag:s8] =	ssyncset.s32 @!p0 $0xFFFFF086;
	s6 =	sadd.s32 @!p0 s3, s7;
	s7 =	simm.s32 @!p0 $0x108  }
0x21: {  	s3 =	sadd.s32 s3, s9;
	s6 =	sadd.s32 @!p0 $0x88, s6;
	s7 =	simm.s32 @p2 $0x1082  }
0x22: {  	[simem:s7], [sflag:s8] =	dma.local @!p0 [hbm:s6], $0xF7A  }
0x23: {  	s9 =	sor.u32 $0xD0000000, s2;
	s6 =	simm.s32 $0x108;
	_ =	swait.ge @!p0 [sflag:s8], $0x0  }
0x24: {  	s3 =	sadd.s32 $0x88, s3;
	s6 =	simm.s32 @!p1 $0x1082;
	[sflag:s4] =	ssyncset.s32 $0xFFFFF086  }
0x25: {  	[simem:s6], [sflag:s4] =	dma.local [hbm:s3], $0xF7A  }
0x26: {  	[smem:$0x3F9F] =	sst s1;
	(tag) =	ssettag s2;
	_ =	strace s9  }
0x27: {  	s1 =	sld [smem:$0x3FAF]  }
0x28: {  	s2 =	sld [smem:$0x3FB0]  }
0x29: {  	s4 =	sld [smem:$0x3FB2]  }
0x2a: {  	p0 =	seq.s32 s5, $0x0;
	s5 =	sld [smem:$0x3FB3]  }
0x2b: {  	s6 =	sld [smem:$0x3FB4]  }
0x2c: {  	s7 =	sld [smem:$0x3FB5]  }
0x2d: {  	s3 =	simm.s32 $0x108;
	s8 =	sld [smem:$0x3FB6]  }
0x2e: {  	s3 =	simm.s32 @!p0 $0x1082;
	s9 =	sld [smem:$0x3FB7]  }
0x2f: {  	lr =	sadd.s32 s0, s3;
	s0 =	sld [smem:$0x3FAE]  }
0x30: {  	s3 =	sld [smem:$0x3FB1]  }
0x31: {  	[smem:$0x3FBA] =	sst s10  }
0x32: {  	s10 =	sld [smem:$0x3FB8];
	_ =	sdelay $0x3  }
0x33: {  	p0 =	seq.s32 s10, $0x1;
	s10 =	sld [smem:$0x3FBA];
	_ =	sdelay $0x3  }
0x34: {  	[smem:$0x3FBA] =	sst s10  }
0x35: {  	s10 =	sld [smem:$0x3FB9];
	_ =	sdelay $0x3  }
0x36: {  	p1 =	seq.s32 s10, $0x1;
	s10 =	sld [smem:$0x3FBA];
	_ =	sdelay $0x3  }
0x37: {  	[smem:$0x3FBA] =	sst s10  }
0x38: {  	s10 =	sld [smem:$0x3FBB]  }
0x39: {  	_ = 	snop;
	(pc) =	sbr.ind lr, $3  }
0x3a: {  	_ = 	snop  }
0x3b: {  	_ = 	snop  }
0x3c: {  	p2 =	seq.s32 s10, $0x1;
	s10 =	sld [smem:$0x3FBA]  }
0x3d: {  	_ =	shalt  }
0x3e: {  	_ =	shalt  }
0x3f: {  	_ =	shalt  }
0x40: {  	_ =	shalt  }
0x41: {  	_ =	shalt  }
0x42: {  	_ =	shalt  }
0x43: {  	_ =	shalt  }
0x44: {  	_ =	shalt  }
0x45: {  	_ =	shalt  }
0x46: {  	_ =	shalt  }
0x47: {  	_ =	shalt  }
0x48: {  	_ =	shalt  }
0x49: {  	_ =	shalt  }
0x4a: {  	_ =	shalt  }
0x4b: {  	_ =	shalt  }
0x4c: {  	_ =	shalt  }
0x4d: {  	_ =	shalt  }
0x4e: {  	_ =	shalt  }
0x4f: {  	_ =	shalt  }
0x50: {  	_ =	shalt  }
0x51: {  	_ =	shalt  }
0x52: {  	_ =	shalt  }
0x53: {  	_ =	shalt  }
0x54: {  	_ =	shalt  }
0x55: {  	_ =	shalt  }
0x56: {  	_ =	shalt  }
0x57: {  	_ =	shalt  }
0x58: {  	_ =	shalt  }
0x59: {  	_ =	shalt  }
0x5a: {  	_ =	shalt  }
0x5b: {  	_ =	shalt  }
0x5c: {  	_ =	shalt  }
0x5d: {  	_ =	shalt  }
0x5e: {  	_ =	shalt  }
0x5f: {  	_ =	shalt  }
0x60: {  	_ =	shalt  }
0x61: {  	_ =	shalt  }
0x62: {  	_ =	shalt  }
0x63: {  	_ =	shalt  }
0x64: {  	_ =	shalt  }
0x65: {  	_ =	shalt  }
0x66: {  	_ =	shalt  }
0x67: {  	_ =	shalt  }
0x68: {  	_ =	shalt  }
0x69: {  	_ =	shalt  }
0x6a: {  	_ =	shalt  }
0x6b: {  	_ =	shalt  }
0x6c: {  	_ =	shalt  }
0x6d: {  	_ =	shalt  }
0x6e: {  	_ =	shalt  }
0x6f: {  	_ =	shalt  }
0x70: {  	_ =	shalt  }
0x71: {  	_ =	shalt  }
0x72: {  	_ =	shalt  }
0x73: {  	_ =	shalt  }
0x74: {  	_ =	shalt  }
0x75: {  	_ =	shalt  }
0x76: {  	_ =	shalt  }
0x77: {  	_ =	shalt  }
0x78: {  	_ =	shalt  }
0x79: {  	_ =	shalt  }
0x7a: {  	_ =	shalt  }
0x7b: {  	_ =	shalt  }
0x7c: {  	_ =	shalt  }
0x7d: {  	_ =	shalt  }
0x7e: {  	_ =	shalt  }
0x7f: {  	_ =	shalt  }
0x80: {  	_ =	shalt  }
0x81: {  	_ =	shalt  }
0x82: {  	_ =	shalt  }
0x83: {  	_ =	shalt  }
0x84: {  	_ =	shalt  }
0x85: {  	_ =	shalt  }
0x86: {  	_ =	shalt  }
0x87: {  	_ =	shalt  }
.Lfunc_end0:
.L_simem_size_0:
called_computation_lowered:
.L_overlay_start_0:
0x88: {  	s2 =	sld [smem:$0x3FD9]  }
0x89: {  	s3 =	sld [smem:$0x3FFE];
	_ =	sdelay $0x1  }
0x8a: {  	s1 =	srdreg.scid  }
0x8b: {  	s0 =	sand.u32 $0x1, s1  }
0x8c: {  	s17 =	sshll.u32 s0, $0xA;
	s2 =	sadd.s32 s3, s2  }
0x8d: {  	s2 =	sadd.s32 s2, s17  }
0x8e: {  	[smem:$0x3FC6] =	sst s2  }
0x8f: {  	_ = 	snop  }
0x90: {  	s2 =	sld [smem:$0x3FC9]  }
0x91: {  	s18 =	sld [smem:$0x3FD0];
	(tm) =	ssettm $0x1  }
0x92: {  	s4 =	sld [smem:$0x3FFB];
	_ =	sdelay $0x3  }
0x93: {  	_ =	strace s4  }
0x94: {  	s4 =	sld [smem:$0x3FFC];
	_ =	sdelay $0x3  }
0x95: {  	_ =	strace s4  }
0x96: {  	s4 =	sld [smem:$0x3FFD];
	_ =	sdelay $0x3  }
0x97: {  	_ =	strace s4  }
0x98: {  	_ =	strace $0x8FFFFFFF  }
0x99: {  	s19 =	sld [smem:$0x3FDB];
	_ =	sdelay $0x1  }
0x9a: {  	s5 =	simm.s32 $_scs_section_size  }
0x9b: {  	s6 =	simm.s32 $_size__tile_overlayer_lowered;
	s7 =	simm.s32 $_tile_overlayer_lowered  }
0x9c: {  	s22 =	simm.s32 $0x1BFF;
	s21 =	sshll.u32 s7, $0x1;
	s4 =	sadd.s32 s5, s19  }
0x9d: {  	s8 =	simm.s32 $0x0;
	s20 =	sshll.u32 s6, $0x1;
	s6 =	sadd.s32 s21, s4  }
0x9e: {  	[timem:s8], [sflag:s22] =	dma.local [hbm:s6], s20  }
0x9f: {  	_ =	swait.ge [sflag:s22], s20  }
0xa0: {  	s5 =	ssub.s32 $0x0, s20;
	[sflag:s22] =	ssyncset.done $0x0  }
0xa1: {  	[sflag:s22] =	ssyncadd.s32 s5;
	_ =	sdelay $0x1  }
0xa2: {  	s23 =	simm.s32 $0x1B8B  }
0xa3: {  	_ =	swait.ge [sflag:s23], $0x1  }
0xa4: {  	[sflag:s23] =	ssyncset.done $0x0  }
0xa5: {  	s25 =	simm.s32 $0x1B8E;
	s24 =	sld [smem:$0x3FFE];
	[sflag:s23] =	ssyncadd.s32 $0xFFFFFFFF  }
0xa6: {  	s26 =	simm.s32 $execute0_lowered;
	[smem:$0x3FD2] =	sst s25  }
0xa7: {  	s6 =	sshll.u32 s26, $0x1;
	_ =	strace $0x80000046;
	[dreg:$0x1] =	wrdreg $0xFFFFFFFF  }
0xa8: {  	s28 =	simm.s32 $_size_execute0_lowered;
	s4 =	sadd.s32 s4, s6;
	[dreg:$0x0] =	wrdreg $0x0  }
0xa9: {  	s6 =	sshll.u32 s28, $0x1;
	[dreg:$0x2] =	wrdreg s4  }
0xaa: {  	[dreg:$0x3] =	wrdreg s6  }
0xab: {  	[dreg:$0x4] =	wrdreg $0xC0  }
0xac: {  	_ =	task [dreg:s8], $0x5FFFF  }
0xad: {  	[dreg:$0x1] =	wrdreg $0xFFFFFFFF  }
0xae: {  	[dreg:$0x0] =	wrdreg $0x60  }
0xaf: {  	[dreg:$0x2] =	wrdreg s2  }
0xb0: {  	[dreg:$0x3] =	wrdreg s24  }
0xb1: {  	[dreg:$0x4] =	wrdreg s18  }
0xb2: {  	[dreg:$0x5] =	wrdreg $0x9  }
0xb3: {  	_ =	task.clear_ibuf [dreg:s8], $0x6FFFF;
	_ =	strace $0x90000046  }
0xb4: {  	s29 =	simm.s32 $0x9;
	_ =	strace $0x80000048  }
0xb5: {  	_ =	swait.ge [sflag:s29], $0x1  }
0xb6: {  	[sflag:s29] =	ssyncadd.s32 $0xFFFFFFFF  }
0xb7: {  	_ =	strace $0x90000048  }
0xb8: {  	_ =	sfence  }
0xb9: {  	s30 =	sld [smem:$0x0];
	_ =	sdelay $0x2  }
0xba: {  	s31 =	sshll.u32 s1, $0xD;
	s1 =	sshrl.u32 s1, $0x2  }
0xbb: {  	s3 =	sand.u32 $0x4000, s31;
	s1 =	sadd.s32 s1, s30  }
0xbc: {  	s0 =	sor.u32 s3, s0;
	s1 =	sshll.u32 s1, $0x11  }
0xbd: {  	s0 =	sor.u32 s1, s0  }
0xbe: {  	s0 =	sadd.s32 $0x8F2B, s0  }
0xbf: {  	[sflag:s0] =	ssyncadd.remote.s32 $0x1  }
0xc0: {  	_ =	sfence.sel $0xFFFF  }
0xc1: {  	[dreg:$0x0] =	wrdreg $0xFFFFFFFF;
	(pc) =	sbr.abs _section_cstart, $3  }
0xc2: {  	[dreg:$0x1] =	wrdreg $0xFFFFFFFF  }
0xc3: {  	_ =	task.clear_ibuf [dreg:s8], $0x2FFFF;
	_ =	strace $0x9FFFFFFF  }
0xc4: {  	(tm) =	ssettm $0x7FFFFFFF  }
0xc5: {  	_ =	shalt  }
tec
execute0_lowered:
.L_overlay_start_1:
0x0: {  	(tag) =	ssettag $0x1  }
0x1: {  	s0 =	rddreg [dreg:$0x0]  }
0x2: {  	s4 =	rddreg [dreg:$0x1]  }
0x3: {  	s2 =	rddreg [dreg:$0x2]  }
0x4: {  	s5 =	srdreg.scid;
	s1 =	stileid.u32  }
0x5: {  	s3 =	simm.s32 $0x0;
	s9 =	simm.s32 $0x80;
	s10 =	simm.s32 $0x6400  }
0x6: {  	s11 =	simm.s32 $0x8400;
	s12 =	simm.s32 $0x100;
	s13 =	simm.s32 $0xA400  }
0x7: {  	s14 =	simm.s32 $0x180;
	s15 =	simm.s32 $0xC400;
	s16 =	simm.s32 $0x200  }
0x8: {  	s17 =	simm.s32 $0xE400;
	s18 =	simm.s32 $0x10400;
	s19 =	simm.s32 $0x12400  }
0x9: {  	s20 =	simm.s32 $0x14400;
	s21 =	simm.s32 $0x16400;
	s22 =	simm.s32 $0x18400  }
0xa: {  	s23 =	simm.s32 $0x1;
	s24 =	simm.s32 $0x40;
	s25 =	simm.s32 $0x2  }
0xb: {  	s26 =	simm.s32 $0x0;
	s5 =	sand.u32 $0x1, s5;
	s6 =	sshll.u32 s1, $0x1  }
0xc: {  	[smem:$0x7FF] =	sst s3;
	s7 =	ssub.s32 $0x2, s5;
	s5 =	sor.u32 s5, s6  }
0xd: {  	s4 =	sadd.s32 $0xF42800, s4;
	s31 =	sshrl.u32 s7, $0x1;
	s8 =	smul.u32 $0xC80, s5  }
0xe: {  	_ =	strace $0x80000047;
	s5 =	smul.u32 $0xC8, s5;
	s7 =	ssub.s32 s7, s31  }
0xf: {  	s6 =	sadd.s32 s0, s8;
	s7 =	smax.u32 s7, $0x1;
	s8 =	simm.s32 $0x3  }
.LBB2_1:
0x10: {  	[tilespmem:s3], [sflag:$0x3] =	stream.linear.gather [hbm4b:s6+s3], $0x6400, $0x38;
	[tilespmem:$0x1A400] =	vst v63  }
0x11: {  	_ =	swait.ge [sflag:s8], $0x6400  }
0x12: {  	[sflag:s8] =	ssyncset.done $0x0  }
0x13: {  	[sflag:s8] =	ssyncadd.s32 $0xFFFF9C00  }
0x14: {  	[tilespmem:s10], [sflag:$0x1] =	stream.indirect.gather [hbm4b:s4+s9], $0x40, s3, s9, $0xb8;
	[tilespmem:$0x1A400] =	vst v63  }
0x15: {  	_ = 	snop  }
0x16: {  	[tilespmem:s11], [sflag:$0x1] =	stream.indirect.gather [hbm4b:s4+s9], $0x40, s9, s9, $0xb8;
	[tilespmem:$0x1A400] =	vst v63  }
0x17: {  	_ = 	snop  }
0x18: {  	[tilespmem:s13], [sflag:$0x1] =	stream.indirect.gather [hbm4b:s4+s9], $0x40, s12, s9, $0xb8;
	[tilespmem:$0x1A400] =	vst v63  }
0x19: {  	_ = 	snop  }
0x1a: {  	[tilespmem:s15], [sflag:$0x1] =	stream.indirect.gather [hbm4b:s4+s9], $0x40, s14, s9, $0xb8;
	[tilespmem:$0x1A400] =	vst v63  }
0x1b: {  	s28 =	simm.s32 $0x0  }
0x1c: {  	[tilespmem:s17], [sflag:$0x1] =	stream.indirect.gather [hbm4b:s4+s9], $0x40, s16, s9, $0xb8;
	[tilespmem:$0x1A400] =	vst v63  }
.LBB2_2:
0x1d: {  	s29 =	sshllo.u32 s28, $0x1  }
0x1e: {  	s0 =	smul.u32 $0xA00, s29;
	_ =	sdelay $0x1  }
0x1f: {  	s0 =	sshra.s32 s0, $0x2  }
0x20: {  	[tilespmem:s18], [sflag:$0x2] =	stream.indirect.gather [hbm4b:s4+s9], $0x40, s0, s9, $0xb8;
	[tilespmem:$0x1A400] =	vst v63  }
0x21: {  	s30 =	sadd.s32 $0x80, s0  }
0x22: {  	[tilespmem:s19], [sflag:$0x2] =	stream.indirect.gather [hbm4b:s4+s9], $0x40, s30, s9, $0xb8;
	[tilespmem:$0x1A400] =	vst v63  }
0x23: {  	s30 =	sadd.s32 $0x100, s0  }
0x24: {  	[tilespmem:s20], [sflag:$0x2] =	stream.indirect.gather [hbm4b:s4+s9], $0x40, s30, s9, $0xb8;
	[tilespmem:$0x1A400] =	vst v63  }
0x25: {  	s30 =	sadd.s32 $0x180, s0  }
0x26: {  	[tilespmem:s21], [sflag:$0x2] =	stream.indirect.gather [hbm4b:s4+s9], $0x40, s30, s9, $0xb8;
	[tilespmem:$0x1A400] =	vst v63  }
0x27: {  	s0 =	sadd.s32 $0x200, s0  }
0x28: {  	[tilespmem:s22], [sflag:$0x2] =	stream.indirect.gather [hbm4b:s4+s9], $0x40, s0, s9, $0xb8;
	[tilespmem:$0x1A400] =	vst v63  }
0x29: {  	_ =	swait.ge [sflag:s23], $0xA000  }
0x2a: {  	[sflag:s23] =	ssyncset.done $0x0  }
0x2b: {  	s30 =	simm.s32 $0x6500;
	[sflag:s23] =	ssyncadd.s32 $0xFFFF6000  }
0x2c: {  	v0 =	vld [tilespmem:s30+$0xFFFFFF00]  }
0x2d: {  	v1 =	vld [tilespmem:s30+$0xFFFFFF10]  }
0x2e: {  	v2 =	vld [tilespmem:s30+$0xFFFFFF20]  }
0x2f: {  	v3 =	vld [tilespmem:s30+$0xFFFFFF30]  }
0x30: {  	v4 =	vld [tilespmem:s30+$0xFFFFFF40]  }
0x31: {  	v5 =	vld [tilespmem:s30+$0xFFFFFF50];
	v0 =	vmul.f32 $8.000000000e+00, v0  }
0x32: {  	v6 =	vld [tilespmem:s30+$0xFFFFFF60];
	v1 =	vmul.f32 $8.000000000e+00, v1  }
0x33: {  	[tilespmem:s30+$0xFFFFFF00] =	vst v0;
	v0 =	vmul.f32 $8.000000000e+00, v2;
	v2 =	vld [tilespmem:s30+$0xFFFFFF70]  }
0x34: {  	[tilespmem:s30+$0xFFFFFF10] =	vst v1;
	v1 =	vmul.f32 $8.000000000e+00, v3;
	v3 =	vld [tilespmem:s30+$0xFFFFFF80]  }
0x35: {  	[tilespmem:s30+$0xFFFFFF20] =	vst v0;
	v0 =	vmul.f32 $8.000000000e+00, v4;
	v4 =	vld [tilespmem:s30+$0xFFFFFF90]  }
0x36: {  	[tilespmem:s30+$0xFFFFFF30] =	vst v1;
	v1 =	vmul.f32 $8.000000000e+00, v5;
	v5 =	vld [tilespmem:s30+$0xFFFFFFA0]  }
0x37: {  	[tilespmem:s30+$0xFFFFFF40] =	vst v0;
	v0 =	vmul.f32 $8.000000000e+00, v6;
	v6 =	vld [tilespmem:s30+$0xFFFFFFB0]  }
0x38: {  	[tilespmem:s30+$0xFFFFFF50] =	vst v1;
	v1 =	vmul.f32 $8.000000000e+00, v2;
	v2 =	vld [tilespmem:s30+$0xFFFFFFC0]  }
0x39: {  	[tilespmem:s30+$0xFFFFFF60] =	vst v0;
	v0 =	vmul.f32 $8.000000000e+00, v3;
	v3 =	vld [tilespmem:s30+$0xFFFFFFD0]  }
0x3a: {  	[tilespmem:s30+$0xFFFFFF70] =	vst v1;
	v1 =	vmul.f32 $8.000000000e+00, v4;
	v4 =	vld [tilespmem:s30+$0xFFFFFFE0]  }
0x3b: {  	[tilespmem:s30+$0xFFFFFF80] =	vst v0;
	v0 =	vmul.f32 $8.000000000e+00, v5;
	v5 =	vld [tilespmem:s30+$0x0]  }
0x3c: {  	[tilespmem:s30+$0xFFFFFF90] =	vst v1;
	v1 =	vmul.f32 $8.000000000e+00, v6;
	v6 =	vld [tilespmem:s30+$0x10]  }
0x3d: {  	[tilespmem:s30+$0xFFFFFFA0] =	vst v0;
	v0 =	vmul.f32 $8.000000000e+00, v2;
	v2 =	vld [tilespmem:s30+$0x20]  }
0x3e: {  	[tilespmem:s30+$0xFFFFFFB0] =	vst v1;
	v1 =	vmul.f32 $8.000000000e+00, v3;
	v3 =	vld [tilespmem:s30+$0x30]  }
0x3f: {  	[tilespmem:s30+$0xFFFFFFC0] =	vst v0;
	v0 =	vmul.f32 $8.000000000e+00, v4;
	v4 =	vld [tilespmem:s30+$0x40]  }
0x40: {  	[tilespmem:s30+$0xFFFFFFD0] =	vst v1;
	v1 =	vmul.f32 $8.000000000e+00, v5;
	v5 =	vld [tilespmem:s30+$0x50]  }
0x41: {  	[tilespmem:s30+$0xFFFFFFE0] =	vst v0;
	v0 =	vmul.f32 $8.000000000e+00, v6;
	v6 =	vld [tilespmem:s30+$0x60]  }
0x42: {  	[tilespmem:s30+$0x0] =	vst v1;
	v1 =	vmul.f32 $8.000000000e+00, v2;
	v2 =	vld [tilespmem:s30+$0x70]  }
0x43: {  	[tilespmem:s30+$0x10] =	vst v0;
	v0 =	vmul.f32 $8.000000000e+00, v3;
	v3 =	vld [tilespmem:s30+$0x80]  }
0x44: {  	[tilespmem:s30+$0x20] =	vst v1;
	v1 =	vmul.f32 $8.000000000e+00, v4;
	v4 =	vld [tilespmem:s30+$0x90]  }
0x45: {  	[tilespmem:s30+$0x30] =	vst v0;
	v0 =	vmul.f32 $8.000000000e+00, v5;
	v5 =	vld [tilespmem:s30+$0xA0]  }
0x46: {  	[tilespmem:s30+$0x40] =	vst v1;
	v1 =	vmul.f32 $8.000000000e+00, v6;
	v6 =	vld [tilespmem:s30+$0xB0]  }
0x47: {  	[tilespmem:s30+$0x50] =	vst v0;
	v2 =	vmul.f32 $8.000000000e+00, v2;
	v0 =	vld [tilespmem:s30+$0xC0]  }
0x48: {  	[tilespmem:s30+$0x60] =	vst v1;
	v7 =	vmul.f32 $8.000000000e+00, v3;
	v1 =	vld [tilespmem:s30+$0xD0]  }
0x49: {  	v3 =	vld [tilespmem:s30+$0xE0];
	[tilespmem:s30+$0x70] =	vst v2;
	v8 =	vmul.f32 $8.000000000e+00, v4  }
0x4a: {  	v2 =	vld [tilespmem:s30+$0xF0];
	[tilespmem:s30+$0x80] =	vst v7;
	v5 =	vmul.f32 $8.000000000e+00, v5  }
0x4b: {  	s31 =	simm.s32 $0x0;
	s0 =	simm.s32 $0x6700;
	v4 =	vld [tilespmem:s30+$0xFFFFFFF0];
	[tilespmem:s30+$0x90] =	vst v8;
	v6 =	vmul.f32 $8.000000000e+00, v6  }
.LBB2_3:
0x4c: {  	v7 =	vld [tilespmem:s0+$0xFFFFFF00];
	[tilespmem:s30+$0xA0] =	vst v5;
	v0 =	vmul.f32 $8.000000000e+00, v0  }
0x4d: {  	v5 =	vld [tilespmem:s0+$0xFFFFFF10];
	[tilespmem:s30+$0xB0] =	vst v6;
	v1 =	vmul.f32 $8.000000000e+00, v1  }
0x4e: {  	v6 =	vld [tilespmem:s0+$0xFFFFFF20];
	[tilespmem:s30+$0xC0] =	vst v0;
	v0 =	vmul.f32 $8.000000000e+00, v3  }
0x4f: {  	v3 =	vld [tilespmem:s0+$0xFFFFFF30];
	[tilespmem:s30+$0xD0] =	vst v1;
	v1 =	vmul.f32 $8.000000000e+00, v2  }
0x50: {  	v2 =	vld [tilespmem:s0+$0xFFFFFF40];
	v4 =	vmul.f32 $8.000000000e+00, v4;
	[tilespmem:s30+$0xE0] =	vst v0  }
0x51: {  	v0 =	vmul.f32 $8.000000000e+00, v7;
	v7 =	vld [tilespmem:s0+$0xFFFFFF50];
	[tilespmem:s30+$0xF0] =	vst v1  }
0x52: {  	v1 =	vmul.f32 $8.000000000e+00, v5;
	v5 =	vld [tilespmem:s0+$0xFFFFFF60];
	[tilespmem:s30+$0xFFFFFFF0] =	vst v4;
	s30 =	smov.u32 s0  }
0x53: {  	[tilespmem:s0+$0xFFFFFF00] =	vst v0;
	v0 =	vmul.f32 $8.000000000e+00, v6;
	v4 =	vld [tilespmem:s0+$0xFFFFFF70]  }
0x54: {  	[tilespmem:s0+$0xFFFFFF10] =	vst v1;
	v1 =	vmul.f32 $8.000000000e+00, v3;
	v3 =	vld [tilespmem:s0+$0xFFFFFF80]  }
0x55: {  	[tilespmem:s0+$0xFFFFFF20] =	vst v0;
	v0 =	vmul.f32 $8.000000000e+00, v2;
	v2 =	vld [tilespmem:s0+$0xFFFFFF90]  }
0x56: {  	[tilespmem:s0+$0xFFFFFF30] =	vst v1;
	v1 =	vmul.f32 $8.000000000e+00, v7;
	v6 =	vld [tilespmem:s0+$0xFFFFFFA0]  }
0x57: {  	[tilespmem:s0+$0xFFFFFF40] =	vst v0;
	v0 =	vmul.f32 $8.000000000e+00, v5;
	v5 =	vld [tilespmem:s0+$0xFFFFFFB0]  }
0x58: {  	[tilespmem:s0+$0xFFFFFF50] =	vst v1;
	v1 =	vmul.f32 $8.000000000e+00, v4;
	v4 =	vld [tilespmem:s0+$0xFFFFFFC0]  }
0x59: {  	[tilespmem:s0+$0xFFFFFF60] =	vst v0;
	v0 =	vmul.f32 $8.000000000e+00, v3;
	v3 =	vld [tilespmem:s0+$0xFFFFFFD0]  }
0x5a: {  	[tilespmem:s0+$0xFFFFFF70] =	vst v1;
	v1 =	vmul.f32 $8.000000000e+00, v2;
	v2 =	vld [tilespmem:s0+$0xFFFFFFE0]  }
0x5b: {  	[tilespmem:s0+$0xFFFFFF80] =	vst v0;
	v0 =	vmul.f32 $8.000000000e+00, v6;
	v6 =	vld [tilespmem:s0+$0x0]  }
0x5c: {  	[tilespmem:s0+$0xFFFFFF90] =	vst v1;
	v1 =	vmul.f32 $8.000000000e+00, v5;
	v5 =	vld [tilespmem:s0+$0x10]  }
0x5d: {  	[tilespmem:s0+$0xFFFFFFA0] =	vst v0;
	v0 =	vmul.f32 $8.000000000e+00, v4;
	v4 =	vld [tilespmem:s0+$0x20]  }
0x5e: {  	[tilespmem:s0+$0xFFFFFFB0] =	vst v1;
	v1 =	vmul.f32 $8.000000000e+00, v3;
	v3 =	vld [tilespmem:s0+$0x30]  }
0x5f: {  	[tilespmem:s0+$0xFFFFFFC0] =	vst v0;
	v0 =	vmul.f32 $8.000000000e+00, v2;
	v2 =	vld [tilespmem:s0+$0x40]  }
0x60: {  	[tilespmem:s0+$0xFFFFFFD0] =	vst v1;
	v1 =	vmul.f32 $8.000000000e+00, v6;
	v6 =	vld [tilespmem:s0+$0x50]  }
0x61: {  	[tilespmem:s0+$0xFFFFFFE0] =	vst v0;
	v0 =	vmul.f32 $8.000000000e+00, v5;
	v5 =	vld [tilespmem:s0+$0x60]  }
0x62: {  	[tilespmem:s0+$0x0] =	vst v1;
	v1 =	vmul.f32 $8.000000000e+00, v4;
	v4 =	vld [tilespmem:s0+$0x70]  }
0x63: {  	[tilespmem:s0+$0x10] =	vst v0;
	v0 =	vmul.f32 $8.000000000e+00, v3;
	v3 =	vld [tilespmem:s0+$0x80]  }
0x64: {  	[tilespmem:s0+$0x20] =	vst v1;
	v1 =	vmul.f32 $8.000000000e+00, v2;
	v2 =	vld [tilespmem:s0+$0x90]  }
0x65: {  	s31 =	sadd.s32 $0x8, s31;
	[tilespmem:s0+$0x30] =	vst v0;
	v0 =	vmul.f32 $8.000000000e+00, v6;
	v6 =	vld [tilespmem:s0+$0xA0]  }
0x66: {  	p0 =	slt.u32 s31, $0x278;
	[tilespmem:s0+$0x40] =	vst v1;
	v1 =	vmul.f32 $8.000000000e+00, v5;
	v7 =	vld [tilespmem:s0+$0xB0]  }
.Ltmp0:
0x67: {  	[tilespmem:s0+$0x50] =	vst v0;
	v4 =	vmul.f32 $8.000000000e+00, v4;
	v0 =	vld [tilespmem:s0+$0xC0];
	(pc) =	sbr.rel @p0 .LBB2_3-.Ltmp0, $4  }
0x68: {  	[tilespmem:s0+$0x60] =	vst v1;
	v5 =	vmul.f32 $8.000000000e+00, v3;
	v1 =	vld [tilespmem:s0+$0xD0]  }
0x69: {  	[tilespmem:s0+$0x70] =	vst v4;
	v8 =	vmul.f32 $8.000000000e+00, v2;
	v3 =	vld [tilespmem:s0+$0xE0]  }
0x6a: {  	[tilespmem:s0+$0x80] =	vst v5;
	v5 =	vmul.f32 $8.000000000e+00, v6;
	v2 =	vld [tilespmem:s0+$0xF0]  }
0x6b: {  	s0 =	sadd.s32 $0x200, s0;
	v4 =	vld [tilespmem:s30+$0xFFFFFFF0];
	[tilespmem:s30+$0x90] =	vst v8;
	v6 =	vmul.f32 $8.000000000e+00, v7  }
0x6c: {  	[tilespmem:s30+$0xA0] =	vst v5;
	v0 =	vmul.f32 $8.000000000e+00, v0  }
0x6d: {  	[tilespmem:s30+$0xB0] =	vst v6;
	v1 =	vmul.f32 $8.000000000e+00, v1  }
0x6e: {  	s0 =	smul.u32 $0xA, s28;
	[tilespmem:s30+$0xC0] =	vst v0;
	v0 =	vmul.f32 $8.000000000e+00, v3  }
0x6f: {  	[tilespmem:s30+$0xD0] =	vst v1;
	v1 =	vmul.f32 $8.000000000e+00, v2  }
0x70: {  	s0 =	sadd.s32 s5, s0;
	v2 =	vmul.f32 $8.000000000e+00, v4;
	[tilespmem:s30+$0xE0] =	vst v0  }
0x71: {  	s0 =	sshll.u32 s0, $0xB;
	[tilespmem:s30+$0xF0] =	vst v1  }
0x72: {  	p0 =	seq.s32 s28, $0x13;
	s0 =	sadd.s32 s2, s0;
	[tilespmem:s30+$0xFFFFFFF0] =	vst v2  }
0x73: {  	[hbm4b:s0+s24] =	stream.strided.scatter [tilespmem:s10], [sflag:$0x3], $0xA000, s9, s24, $0x38;
	[tilespmem:$0x1A400] =	vst v63  }
0x74: {  	s0 =	smul.u32 @!p0 $0x1400, s28  }
0x75: {  	_ =	swait.ge [sflag:s8], $0xA000  }
0x76: {  	s31 =	simm.s32 @!p0 $0x80;
	[sflag:s8] =	ssyncset.done $0x0;
	s0 =	sshra.s32 @!p0 s0, $0x2  }
0x77: {  	s1 =	simm.s32 @!p0 $0x6400;
	[sflag:s8] =	ssyncadd.s32 $0xFFFF6000;
	s30 =	sadd.s32 @!p0 $0x500, s0  }
0x78: {  	[tilespmem:s1], [sflag:$0x1] =	stream.indirect.gather @!p0 [hbm4b:s4+s31], $0x40, s30, s31, $0xb8;
	[tilespmem:$0x1A400] =	vst v63  }
0x79: {  	s1 =	sadd.s32 @!p0 $0x580, s0;
	s30 =	simm.s32 @!p0 $0x8400  }
0x7a: {  	[tilespmem:s30], [sflag:$0x1] =	stream.indirect.gather @!p0 [hbm4b:s4+s31], $0x40, s1, s31, $0xb8;
	[tilespmem:$0x1A400] =	vst v63  }
0x7b: {  	s1 =	sadd.s32 @!p0 $0x600, s0;
	s30 =	simm.s32 @!p0 $0xA400  }
0x7c: {  	[tilespmem:s30], [sflag:$0x1] =	stream.indirect.gather @!p0 [hbm4b:s4+s31], $0x40, s1, s31, $0xb8;
	[tilespmem:$0x1A400] =	vst v63  }
0x7d: {  	s1 =	sadd.s32 @!p0 $0x680, s0;
	s30 =	simm.s32 @!p0 $0xC400  }
0x7e: {  	[tilespmem:s30], [sflag:$0x1] =	stream.indirect.gather @!p0 [hbm4b:s4+s31], $0x40, s1, s31, $0xb8;
	[tilespmem:$0x1A400] =	vst v63  }
0x7f: {  	s0 =	sadd.s32 @!p0 $0x700, s0;
	s1 =	simm.s32 @!p0 $0xE400  }
0x80: {  	[tilespmem:s1], [sflag:$0x1] =	stream.indirect.gather @!p0 [hbm4b:s4+s31], $0x40, s0, s31, $0xb8;
	[tilespmem:$0x1A400] =	vst v63  }
0x81: {  	_ =	swait.ge [sflag:s25], $0xA000  }
0x82: {  	[sflag:s25] =	ssyncset.done $0x0  }
0x83: {  	s30 =	simm.s32 $0x10500;
	[sflag:s25] =	ssyncadd.s32 $0xFFFF6000  }
0x84: {  	v0 =	vld [tilespmem:s30+$0xFFFFFF00]  }
0x85: {  	v1 =	vld [tilespmem:s30+$0xFFFFFF10]  }
0x86: {  	v2 =	vld [tilespmem:s30+$0xFFFFFF20]  }
0x87: {  	v3 =	vld [tilespmem:s30+$0xFFFFFF30]  }
0x88: {  	v4 =	vld [tilespmem:s30+$0xFFFFFF40]  }
0x89: {  	v5 =	vld [tilespmem:s30+$0xFFFFFF50];
	v0 =	vmul.f32 $8.000000000e+00, v0  }
0x8a: {  	v6 =	vld [tilespmem:s30+$0xFFFFFF60];
	v1 =	vmul.f32 $8.000000000e+00, v1  }
0x8b: {  	[tilespmem:s30+$0xFFFFFF00] =	vst v0;
	v0 =	vmul.f32 $8.000000000e+00, v2;
	v2 =	vld [tilespmem:s30+$0xFFFFFF70]  }
0x8c: {  	[tilespmem:s30+$0xFFFFFF10] =	vst v1;
	v1 =	vmul.f32 $8.000000000e+00, v3;
	v3 =	vld [tilespmem:s30+$0xFFFFFF80]  }
0x8d: {  	[tilespmem:s30+$0xFFFFFF20] =	vst v0;
	v0 =	vmul.f32 $8.000000000e+00, v4;
	v4 =	vld [tilespmem:s30+$0xFFFFFF90]  }
0x8e: {  	[tilespmem:s30+$0xFFFFFF30] =	vst v1;
	v1 =	vmul.f32 $8.000000000e+00, v5;
	v5 =	vld [tilespmem:s30+$0xFFFFFFA0]  }
0x8f: {  	[tilespmem:s30+$0xFFFFFF40] =	vst v0;
	v0 =	vmul.f32 $8.000000000e+00, v6;
	v6 =	vld [tilespmem:s30+$0xFFFFFFB0]  }
0x90: {  	[tilespmem:s30+$0xFFFFFF50] =	vst v1;
	v1 =	vmul.f32 $8.000000000e+00, v2;
	v2 =	vld [tilespmem:s30+$0xFFFFFFC0]  }
0x91: {  	[tilespmem:s30+$0xFFFFFF60] =	vst v0;
	v0 =	vmul.f32 $8.000000000e+00, v3;
	v3 =	vld [tilespmem:s30+$0xFFFFFFD0]  }
0x92: {  	[tilespmem:s30+$0xFFFFFF70] =	vst v1;
	v1 =	vmul.f32 $8.000000000e+00, v4;
	v4 =	vld [tilespmem:s30+$0xFFFFFFE0]  }
0x93: {  	[tilespmem:s30+$0xFFFFFF80] =	vst v0;
	v0 =	vmul.f32 $8.000000000e+00, v5;
	v5 =	vld [tilespmem:s30+$0x0]  }
0x94: {  	[tilespmem:s30+$0xFFFFFF90] =	vst v1;
	v1 =	vmul.f32 $8.000000000e+00, v6;
	v6 =	vld [tilespmem:s30+$0x10]  }
0x95: {  	[tilespmem:s30+$0xFFFFFFA0] =	vst v0;
	v0 =	vmul.f32 $8.000000000e+00, v2;
	v2 =	vld [tilespmem:s30+$0x20]  }
0x96: {  	[tilespmem:s30+$0xFFFFFFB0] =	vst v1;
	v1 =	vmul.f32 $8.000000000e+00, v3;
	v3 =	vld [tilespmem:s30+$0x30]  }
0x97: {  	[tilespmem:s30+$0xFFFFFFC0] =	vst v0;
	v0 =	vmul.f32 $8.000000000e+00, v4;
	v4 =	vld [tilespmem:s30+$0x40]  }
0x98: {  	[tilespmem:s30+$0xFFFFFFD0] =	vst v1;
	v1 =	vmul.f32 $8.000000000e+00, v5;
	v5 =	vld [tilespmem:s30+$0x50]  }
0x99: {  	[tilespmem:s30+$0xFFFFFFE0] =	vst v0;
	v0 =	vmul.f32 $8.000000000e+00, v6;
	v6 =	vld [tilespmem:s30+$0x60]  }
0x9a: {  	[tilespmem:s30+$0x0] =	vst v1;
	v1 =	vmul.f32 $8.000000000e+00, v2;
	v2 =	vld [tilespmem:s30+$0x70]  }
0x9b: {  	[tilespmem:s30+$0x10] =	vst v0;
	v0 =	vmul.f32 $8.000000000e+00, v3;
	v3 =	vld [tilespmem:s30+$0x80]  }
0x9c: {  	[tilespmem:s30+$0x20] =	vst v1;
	v1 =	vmul.f32 $8.000000000e+00, v4;
	v4 =	vld [tilespmem:s30+$0x90]  }
0x9d: {  	[tilespmem:s30+$0x30] =	vst v0;
	v0 =	vmul.f32 $8.000000000e+00, v5;
	v5 =	vld [tilespmem:s30+$0xA0]  }
0x9e: {  	[tilespmem:s30+$0x40] =	vst v1;
	v1 =	vmul.f32 $8.000000000e+00, v6;
	v6 =	vld [tilespmem:s30+$0xB0]  }
0x9f: {  	[tilespmem:s30+$0x50] =	vst v0;
	v2 =	vmul.f32 $8.000000000e+00, v2;
	v0 =	vld [tilespmem:s30+$0xC0]  }
0xa0: {  	[tilespmem:s30+$0x60] =	vst v1;
	v3 =	vmul.f32 $8.000000000e+00, v3;
	v1 =	vld [tilespmem:s30+$0xD0]  }
0xa1: {  	[tilespmem:s30+$0x70] =	vst v2;
	v7 =	vmul.f32 $8.000000000e+00, v4;
	v2 =	vld [tilespmem:s30+$0xE0]  }
0xa2: {  	[tilespmem:s30+$0x80] =	vst v3;
	v3 =	vld [tilespmem:s30+$0xF0];
	v5 =	vmul.f32 $8.000000000e+00, v5  }
0xa3: {  	s31 =	simm.s32 $0x0;
	s0 =	simm.s32 $0x10700;
	v4 =	vld [tilespmem:s30+$0xFFFFFFF0];
	[tilespmem:s30+$0x90] =	vst v7;
	v6 =	vmul.f32 $8.000000000e+00, v6  }
.LBB2_5:
0xa4: {  	v7 =	vld [tilespmem:s0+$0xFFFFFF00];
	[tilespmem:s30+$0xA0] =	vst v5;
	v0 =	vmul.f32 $8.000000000e+00, v0  }
0xa5: {  	v5 =	vld [tilespmem:s0+$0xFFFFFF10];
	[tilespmem:s30+$0xB0] =	vst v6;
	v1 =	vmul.f32 $8.000000000e+00, v1  }
0xa6: {  	v6 =	vld [tilespmem:s0+$0xFFFFFF20];
	[tilespmem:s30+$0xC0] =	vst v0;
	v0 =	vmul.f32 $8.000000000e+00, v2  }
0xa7: {  	v2 =	vld [tilespmem:s0+$0xFFFFFF30];
	[tilespmem:s30+$0xD0] =	vst v1;
	v1 =	vmul.f32 $8.000000000e+00, v3  }
0xa8: {  	v3 =	vld [tilespmem:s0+$0xFFFFFF40];
	v4 =	vmul.f32 $8.000000000e+00, v4;
	[tilespmem:s30+$0xE0] =	vst v0  }
0xa9: {  	v0 =	vmul.f32 $8.000000000e+00, v7;
	v7 =	vld [tilespmem:s0+$0xFFFFFF50];
	[tilespmem:s30+$0xF0] =	vst v1  }
0xaa: {  	v1 =	vmul.f32 $8.000000000e+00, v5;
	v5 =	vld [tilespmem:s0+$0xFFFFFF60];
	[tilespmem:s30+$0xFFFFFFF0] =	vst v4;
	s30 =	smov.u32 s0  }
0xab: {  	[tilespmem:s0+$0xFFFFFF00] =	vst v0;
	v0 =	vmul.f32 $8.000000000e+00, v6;
	v4 =	vld [tilespmem:s0+$0xFFFFFF70]  }
0xac: {  	[tilespmem:s0+$0xFFFFFF10] =	vst v1;
	v1 =	vmul.f32 $8.000000000e+00, v2;
	v2 =	vld [tilespmem:s0+$0xFFFFFF80]  }
0xad: {  	[tilespmem:s0+$0xFFFFFF20] =	vst v0;
	v0 =	vmul.f32 $8.000000000e+00, v3;
	v3 =	vld [tilespmem:s0+$0xFFFFFF90]  }
0xae: {  	[tilespmem:s0+$0xFFFFFF30] =	vst v1;
	v1 =	vmul.f32 $8.000000000e+00, v7;
	v6 =	vld [tilespmem:s0+$0xFFFFFFA0]  }
0xaf: {  	[tilespmem:s0+$0xFFFFFF40] =	vst v0;
	v0 =	vmul.f32 $8.000000000e+00, v5;
	v5 =	vld [tilespmem:s0+$0xFFFFFFB0]  }
0xb0: {  	[tilespmem:s0+$0xFFFFFF50] =	vst v1;
	v1 =	vmul.f32 $8.000000000e+00, v4;
	v4 =	vld [tilespmem:s0+$0xFFFFFFC0]  }
0xb1: {  	[tilespmem:s0+$0xFFFFFF60] =	vst v0;
	v0 =	vmul.f32 $8.000000000e+00, v2;
	v2 =	vld [tilespmem:s0+$0xFFFFFFD0]  }
0xb2: {  	[tilespmem:s0+$0xFFFFFF70] =	vst v1;
	v1 =	vmul.f32 $8.000000000e+00, v3;
	v3 =	vld [tilespmem:s0+$0xFFFFFFE0]  }
0xb3: {  	[tilespmem:s0+$0xFFFFFF80] =	vst v0;
	v0 =	vmul.f32 $8.000000000e+00, v6;
	v6 =	vld [tilespmem:s0+$0x0]  }
0xb4: {  	[tilespmem:s0+$0xFFFFFF90] =	vst v1;
	v1 =	vmul.f32 $8.000000000e+00, v5;
	v5 =	vld [tilespmem:s0+$0x10]  }
0xb5: {  	[tilespmem:s0+$0xFFFFFFA0] =	vst v0;
	v0 =	vmul.f32 $8.000000000e+00, v4;
	v4 =	vld [tilespmem:s0+$0x20]  }
0xb6: {  	[tilespmem:s0+$0xFFFFFFB0] =	vst v1;
	v1 =	vmul.f32 $8.000000000e+00, v2;
	v2 =	vld [tilespmem:s0+$0x30]  }
0xb7: {  	[tilespmem:s0+$0xFFFFFFC0] =	vst v0;
	v0 =	vmul.f32 $8.000000000e+00, v3;
	v3 =	vld [tilespmem:s0+$0x40]  }
0xb8: {  	[tilespmem:s0+$0xFFFFFFD0] =	vst v1;
	v1 =	vmul.f32 $8.000000000e+00, v6;
	v6 =	vld [tilespmem:s0+$0x50]  }
0xb9: {  	[tilespmem:s0+$0xFFFFFFE0] =	vst v0;
	v0 =	vmul.f32 $8.000000000e+00, v5;
	v5 =	vld [tilespmem:s0+$0x60]  }
0xba: {  	[tilespmem:s0+$0x0] =	vst v1;
	v1 =	vmul.f32 $8.000000000e+00, v4;
	v4 =	vld [tilespmem:s0+$0x70]  }
0xbb: {  	[tilespmem:s0+$0x10] =	vst v0;
	v0 =	vmul.f32 $8.000000000e+00, v2;
	v2 =	vld [tilespmem:s0+$0x80]  }
0xbc: {  	[tilespmem:s0+$0x20] =	vst v1;
	v1 =	vmul.f32 $8.000000000e+00, v3;
	v3 =	vld [tilespmem:s0+$0x90]  }
0xbd: {  	s31 =	sadd.s32 $0x8, s31;
	[tilespmem:s0+$0x30] =	vst v0;
	v0 =	vmul.f32 $8.000000000e+00, v6;
	v6 =	vld [tilespmem:s0+$0xA0]  }
0xbe: {  	p0 =	slt.u32 s31, $0x278;
	[tilespmem:s0+$0x40] =	vst v1;
	v1 =	vmul.f32 $8.000000000e+00, v5;
	v7 =	vld [tilespmem:s0+$0xB0]  }
.Ltmp1:
0xbf: {  	[tilespmem:s0+$0x50] =	vst v0;
	v4 =	vmul.f32 $8.000000000e+00, v4;
	v0 =	vld [tilespmem:s0+$0xC0];
	(pc) =	sbr.rel @p0 .LBB2_5-.Ltmp1, $4  }
0xc0: {  	[tilespmem:s0+$0x60] =	vst v1;
	v5 =	vmul.f32 $8.000000000e+00, v2;
	v1 =	vld [tilespmem:s0+$0xD0]  }
0xc1: {  	[tilespmem:s0+$0x70] =	vst v4;
	v8 =	vmul.f32 $8.000000000e+00, v3;
	v2 =	vld [tilespmem:s0+$0xE0]  }
0xc2: {  	[tilespmem:s0+$0x80] =	vst v5;
	v5 =	vmul.f32 $8.000000000e+00, v6;
	v3 =	vld [tilespmem:s0+$0xF0]  }
0xc3: {  	s0 =	sadd.s32 $0x200, s0;
	v4 =	vld [tilespmem:s30+$0xFFFFFFF0];
	[tilespmem:s30+$0x90] =	vst v8;
	v6 =	vmul.f32 $8.000000000e+00, v7  }
0xc4: {  	[tilespmem:s30+$0xA0] =	vst v5;
	v0 =	vmul.f32 $8.000000000e+00, v0  }
0xc5: {  	s0 =	smul.u32 $0x5, s29;
	[tilespmem:s30+$0xB0] =	vst v6;
	v1 =	vmul.f32 $8.000000000e+00, v1  }
0xc6: {  	[tilespmem:s30+$0xC0] =	vst v0;
	v61 =	vmul.f32 $8.000000000e+00, v2  }
0xc7: {  	s0 =	sadd.s32 s5, s0;
	[tilespmem:s30+$0xD0] =	vst v1;
	v62 =	vmul.f32 $8.000000000e+00, v3  }
0xc8: {  	s28 =	sadd.s32 $0x1, s28;
	s0 =	sshll.u32 s0, $0xB;
	v63 =	vmul.f32 $8.000000000e+00, v4;
	[tilespmem:s30+$0xE0] =	vst v61  }
0xc9: {  	p0 =	sne.s32 s28, $0x14;
	s0 =	sand.u32 $0x1FFFF800, s0;
	[tilespmem:s30+$0xF0] =	vst v62  }
.Ltmp2:
0xca: {  	s0 =	sadd.s32 s2, s0;
	[tilespmem:s30+$0xFFFFFFF0] =	vst v63;
	(pc) =	sbr.rel @p0 .LBB2_2-.Ltmp2, $4  }
0xcb: {  	[hbm4b:s0+s24] =	stream.strided.scatter [tilespmem:s18], [sflag:$0x3], $0xA000, s9, s24, $0x38;
	[tilespmem:$0x1A400] =	vst v63  }
0xcc: {  	_ =	swait.ge [sflag:s8], $0xA000  }
0xcd: {  	[sflag:s8] =	ssyncset.done $0x0  }
0xce: {  	[sflag:s8] =	ssyncadd.s32 $0xFFFF6000  }
0xcf: {  	s26 =	sadd.s32 $0x1, s26  }
0xd0: {  	p0 =	sne.s32 s26, s7  }
.Ltmp3:
0xd1: {  	_ = 	snop;
	(pc) =	sbr.rel @p0 .LBB2_1-.Ltmp3, $1  }
0xd2: {  	_ =	sdelay $0x3  }
0xd3: {  	_ =	sfence.sel $0x180000  }
0xd4: {  	[bflag:$0x0] =	sbarrier.arrive $0xFFFF  }
0xd5: {  	_ =	strace $0x90000047  }
0xd6: {  	s0 =	stileid.u32;
	[bflag:$0x2] =	sbarrier.arrive $0xFFFF  }
0xd7: {  	p0 =	sne.s32 s0, $0x0;
	s0 =	rddreg [dreg:$0x3]  }
0xd8: {  	s0 =	sadd.s32 @!p0 $0x100000, s0  }
0xd9: {  	[sflag:s0] =	ssyncadd.tile.s32 @!p0 $0x1;
	_ =	shalt  }
.Lfunc_end2:
_tile_overlayer_lowered:
.L_overlay_start_2:
0xda: {  	(tag) =	ssettag $0x2  }
0xdb: {  	s0 =	rddreg [dreg:$0x0];
	s2 =	stileid.u32  }
0xdc: {  	s1 =	rddreg [dreg:$0x1];
	p0 =	sne.s32 s2, $0x0  }
0xdd: {  	s3 =	rddreg [dreg:$0x2];
	[bflag:$0x3] =	sbarrier.arrive $0xFFFF;
	s2 =	simm.s32 @!p0 $0x1C03  }
0xde: {  	[timem:s3], [sflag:s2] =	dma.local @!p0 [hbm:s0], s1  }
0xdf: {  	s0 =	simm.s32 @!p0 $0x3  }
0xe0: {  	_ =	swait.ge @!p0 [sflag:s0], s1  }
0xe1: {  	s1 =	ssub.s32 @!p0 $0x0, s1;
	[sflag:s0] =	ssyncset.done @!p0 $0x0  }
0xe2: {  	[sflag:s0] =	ssyncadd.s32 @!p0 s1  }
0xe3: {  	[bflag:$0x3] =	sbarrier.arrive $0xFFFF  }
0xe4: {  	_ =	shalt  }

</sc_bundles>
